<compile_context>
chip_gen: v7x
topology: tpu7x:2x2x1
jax: 0.10.2.dev20260603
libtpu: 0.0.44.dev20260713+nightly
codegen_flags: <defaults>
</compile_context>

<pallas_src>
import jax
import jax.numpy as jnp
from jax import lax
from jax.experimental import pallas as pl
from jax.experimental.pallas import tpu as pltpu
from jax.experimental.pallas import tpu_sc as plsc

B, C, E, P = 16, 8, 256, 1024
ROWS = B * C * E
NC, NS = 2, 16
NW = NC * NS
PANELS_PER_W = (B * C) // NW
R = 8
NCHUNK = PANELS_PER_W * E // R
NBUF = 4
LANES = 16
UNROLL = 4
assert NCHUNK % NBUF == 0


def _body(x_hbm, sidx_hbm, rand_hbm, o_hbm, rand_sm, idx_v,
          in0, in1, in2, in3, out0, out1, out2, out3,
          si0, si1, si2, si3, so0, so1, so2, so3):
    w = lax.axis_index("s") * NC + lax.axis_index("c")
    ins, outs = (in0, in1, in2, in3), (out0, out1, out2, out3)
    sin, sout = (si0, si1, si2, si3), (so0, so1, so2, so3)

    pltpu.sync_copy(rand_hbm, rand_sm)
    rand = rand_sm[...][0]
    pltpu.sync_copy(sidx_hbm.at[rand], idx_v)

    wbase = w * NCHUNK

    def start_in(g, b):
        pltpu.async_copy(x_hbm.at[pl.ds((wbase + g) * R, R)], ins[b], sin[b])

    def start_out(g, b):
        pltpu.async_copy(outs[b], o_hbm.at[pl.ds((wbase + g) * R, R)],
                         sout[b])

    def wait_in(b):
        pltpu.make_async_copy(x_hbm.at[pl.ds(0, R)], ins[b], sin[b]).wait()

    def wait_out(b):
        pltpu.make_async_copy(outs[b], o_hbm.at[pl.ds(0, R)], sout[b]).wait()

    def gather(g, b):
        ch = lax.rem(w * PANELS_PER_W + lax.div(g, E // R), C)

        @plsc.parallel_loop(0, P // LANES, unroll=UNROLL)
        def _(pc):
            off = pc * LANES
            iv = idx_v[ch, pl.ds(off, LANES)]
            for r in range(R):
                rv = jnp.full((LANES,), r, jnp.int32)
                outs[b][r, pl.ds(off, LANES)] = plsc.load_gather(
                    ins[b], [rv, iv])

    for b in range(NBUF):
        start_in(b, b)

    def loop_body(j, _):
        for b in range(NBUF):
            g = j * NBUF + b
            wait_in(b)
            pl.when(j >= 1)(lambda b=b: wait_out(b))
            gather(g, b)
            start_out(g, b)
            pl.when(j < NCHUNK // NBUF - 1)(
                lambda g=g, b=b: start_in(g + NBUF, b))
        return 0

    lax.fori_loop(0, NCHUNK // NBUF, loop_body, 0)
    for b in range(NBUF):
        wait_out(b)


@jax.jit
def _run(x2d, sidx, rand1):
    mesh = plsc.VectorSubcoreMesh(core_axis_name="c", subcore_axis_name="s")
    return pl.kernel(
        _body,
        out_type=jax.ShapeDtypeStruct((ROWS, P), jnp.float32),
        mesh=mesh,
        compiler_params=pltpu.CompilerParams(needs_layout_passes=False,
                                             use_tc_tiling_on_sc=True),
        scratch_types=[
            pltpu.VMEM((LANES,), jnp.int32),
            pltpu.VMEM((C, P), jnp.int32),
            pltpu.VMEM((R, P), jnp.float32),
            pltpu.VMEM((R, P), jnp.float32),
            pltpu.VMEM((R, P), jnp.float32),
            pltpu.VMEM((R, P), jnp.float32),
            pltpu.VMEM((R, P), jnp.float32),
            pltpu.VMEM((R, P), jnp.float32),
            pltpu.VMEM((R, P), jnp.float32),
            pltpu.VMEM((R, P), jnp.float32),
            pltpu.SemaphoreType.DMA,
            pltpu.SemaphoreType.DMA,
            pltpu.SemaphoreType.DMA,
            pltpu.SemaphoreType.DMA,
            pltpu.SemaphoreType.DMA,
            pltpu.SemaphoreType.DMA,
            pltpu.SemaphoreType.DMA,
            pltpu.SemaphoreType.DMA,
        ],
    )(x2d, sidx, rand1)


def kernel(X, shuffled_idx, rand_idx):
    rand1 = jnp.full((LANES,), rand_idx, jnp.int32)
    out = _run(X.reshape(ROWS, P), shuffled_idx, rand1)
    return out.reshape(B, C, E, P)

# --- scband reference (transcript-rebuilt; emitter-appended) ---
"""Pipeline reference for scband-base-shuffler-72782515798938 (READ-ONLY COPY).

The authoritative reference and input builder live on the scoring server;
editing this copy changes nothing except your own understanding.
"""

import jax, jax.numpy as jnp
import numpy as np

B, C, E, P = 16, 8, 256, 1024
NUM_PERM = 1000


def setup_inputs(seed: int = 0) -> dict:
    key = jax.random.key(seed)
    k1, k2 = jax.random.split(key)
    X = jax.random.normal(k1, (B, C, E, P), dtype=jnp.float32)
    # Precomputed permutation bank: for each (perm, channel) a permutation of patch indices.
    noise = jax.random.uniform(k2, (NUM_PERM, C, P))
    shuffled_idx = jnp.argsort(noise, axis=-1).astype(jnp.int32)
    rand_idx = 373  # stands in for torch.randint(0, num_permutations-1, (1,))
    return {"X": X, "shuffled_idx": shuffled_idx, "rand_idx": rand_idx}


def reference(X, shuffled_idx, rand_idx):
    # X: [B, C, E, P] -> rearrange 'b c e p -> b e c p'
    Xt = jnp.transpose(X, (0, 2, 1, 3))
    # shuffle_order = shuffled_idx[rand_idx] : [C, P]; expand to [B, E, C, P]
    shuffle_order = shuffled_idx[rand_idx]
    expanded = jnp.broadcast_to(shuffle_order[None, None, :, :], Xt.shape)
    # torch.gather(X, 3, expanded) == take_along_axis on last dim
    Xp = jnp.take_along_axis(Xt, expanded, axis=3)
    # rearrange 'b e c p -> b c e p'
    X_shuffled = jnp.transpose(Xp, (0, 2, 1, 3))
    return X_shuffled

if __name__ == "__main__":
    import jax
    _d = setup_inputs()
    print(jax.jit(kernel)(*tuple(_d.values())))

</pallas_src>

<mosaic_0001>
#map = affine_map<(d0, d1) -> (0, 0)>
#map1 = affine_map<(d0, d1) -> (0, 0, 0)>
#map2 = affine_map<(d0, d1) -> (0)>
module attributes {stable_mosaic.version = 14 : i64} {
  func.func @_body(%arg0: i32, %arg1: i32, %arg2: memref<32768x1024xf32, #tpu.memory_space<hbm>>, %arg3: memref<1000x8x1024xi32, #tpu.memory_space<hbm>>, %arg4: memref<16xi32, #tpu.memory_space<hbm>>, %arg5: memref<32768x1024xf32, #tpu.memory_space<hbm>>, %arg6: memref<16xi32, #tpu.memory_space<vmem>>, %arg7: memref<8x1024xi32, #tpu.memory_space<vmem>>, %arg8: memref<8x1024xf32, #tpu.memory_space<vmem>>, %arg9: memref<8x1024xf32, #tpu.memory_space<vmem>>, %arg10: memref<8x1024xf32, #tpu.memory_space<vmem>>, %arg11: memref<8x1024xf32, #tpu.memory_space<vmem>>, %arg12: memref<8x1024xf32, #tpu.memory_space<vmem>>, %arg13: memref<8x1024xf32, #tpu.memory_space<vmem>>, %arg14: memref<8x1024xf32, #tpu.memory_space<vmem>>, %arg15: memref<8x1024xf32, #tpu.memory_space<vmem>>, %arg16: memref<!tpu.dma_semaphore, #tpu.memory_space<semaphore_mem>>, %arg17: memref<!tpu.dma_semaphore, #tpu.memory_space<semaphore_mem>>, %arg18: memref<!tpu.dma_semaphore, #tpu.memory_space<semaphore_mem>>, %arg19: memref<!tpu.dma_semaphore, #tpu.memory_space<semaphore_mem>>, %arg20: memref<!tpu.dma_semaphore, #tpu.memory_space<semaphore_mem>>, %arg21: memref<!tpu.dma_semaphore, #tpu.memory_space<semaphore_mem>>, %arg22: memref<!tpu.dma_semaphore, #tpu.memory_space<semaphore_mem>>, %arg23: memref<!tpu.dma_semaphore, #tpu.memory_space<semaphore_mem>>) attributes {dimension_semantics = [#tpu.dimension_semantics<core_parallel>, #tpu.dimension_semantics<subcore_parallel>], iteration_bounds = array<i64: 2, 16>, scalar_prefetch = 0 : i64, scratch_operands = 18 : i64, tpu.core_type = #tpu.core_type<sc_vector_subcore>, window_params = [{transform_indices = #map}, {transform_indices = #map1}, {transform_indices = #map2}, {transform_indices = #map}]} {
    %mul3A = arith.constant 2 : i32
    %mul3A_0 = arith.muli %arg1, %mul3A : i32
    %add3A = arith.addi %mul3A_0, %arg0 : i32
    "tpu.region"() ({
      %run_scoped3A = tpu.sem_alloc : memref<!tpu.dma_semaphore, #tpu.memory_space<semaphore_mem>>
      tpu.enqueue_dma source(%arg4 : memref<16xi32, #tpu.memory_space<hbm>>) target(%arg6 : memref<16xi32, #tpu.memory_space<vmem>>) target_semaphore(%run_scoped3A : memref<!tpu.dma_semaphore, #tpu.memory_space<semaphore_mem>>)
      tpu.wait_dma2 semaphore(%run_scoped3A : memref<!tpu.dma_semaphore, #tpu.memory_space<semaphore_mem>>) src(%arg4 : memref<16xi32, #tpu.memory_space<hbm>>) dst(%arg6 : memref<16xi32, #tpu.memory_space<vmem>>)
      tpu.yield
    }) : () -> ()
    %get3A = arith.constant 0 : index
    %get3A_1 = tpu.vector_load %arg6[%get3A] {strides = array<i32>} : memref<16xi32, #tpu.memory_space<vmem>>, vector<16xi32>,
    %slice3A = vector.extract_strided_slice %get3A_1 {offsets = [0], sizes = [1], strides = [1]} : vector<16xi32> to vector<1xi32>
    %squeeze3A = vector.extract %slice3A[0] : i32 from vector<1xi32>
    "tpu.region"() ({
      %run_scoped3A = tpu.sem_alloc : memref<!tpu.dma_semaphore, #tpu.memory_space<semaphore_mem>>
      %dma_start3A_64 = arith.constant 0 : i32
      %dma_start3A_65 = arith.constant 0 : i32
      %dma_start3A_66 = tpu.memref_slice %arg3[%squeeze3A, %dma_start3A_64, %dma_start3A_65] : memref<1000x8x1024xi32, #tpu.memory_space<hbm>> -> memref<1x8x1024xi32, #tpu.memory_space<hbm>>
      %dma_start3A_67 = tpu.memref_squeeze %dma_start3A_66 : memref<1x8x1024xi32, #tpu.memory_space<hbm>> -> memref<8x1024xi32, #tpu.memory_space<hbm>>
      %dma_start3A_68 = arith.constant 0 : i32
      %dma_start3A_69 = arith.constant 0 : i32
      %dma_start3A_70 = tpu.memref_slice %arg3[%squeeze3A, %dma_start3A_68, %dma_start3A_69] : memref<1000x8x1024xi32, #tpu.memory_space<hbm>> -> memref<1x8x1024xi32, #tpu.memory_space<hbm>>
      %dma_start3A_71 = tpu.memref_squeeze %dma_start3A_70 : memref<1x8x1024xi32, #tpu.memory_space<hbm>> -> memref<8x1024xi32, #tpu.memory_space<hbm>>
      tpu.enqueue_dma source(%dma_start3A_71 : memref<8x1024xi32, #tpu.memory_space<hbm>>) target(%arg7 : memref<8x1024xi32, #tpu.memory_space<vmem>>) target_semaphore(%run_scoped3A : memref<!tpu.dma_semaphore, #tpu.memory_space<semaphore_mem>>)
      %dma_wait3A_72 = arith.constant 0 : i32
      %dma_wait3A_73 = arith.constant 0 : i32
      %dma_wait3A_74 = tpu.memref_slice %arg3[%squeeze3A, %dma_wait3A_72, %dma_wait3A_73] : memref<1000x8x1024xi32, #tpu.memory_space<hbm>> -> memref<1x8x1024xi32, #tpu.memory_space<hbm>>
      %dma_wait3A_75 = tpu.memref_squeeze %dma_wait3A_74 : memref<1x8x1024xi32, #tpu.memory_space<hbm>> -> memref<8x1024xi32, #tpu.memory_space<hbm>>
      %dma_wait3A_76 = arith.constant 0 : i32
      %dma_wait3A_77 = arith.constant 0 : i32
      %dma_wait3A_78 = tpu.memref_slice %arg3[%squeeze3A, %dma_wait3A_76, %dma_wait3A_77] : memref<1000x8x1024xi32, #tpu.memory_space<hbm>> -> memref<1x8x1024xi32, #tpu.memory_space<hbm>>
      %dma_wait3A_79 = tpu.memref_squeeze %dma_wait3A_78 : memref<1x8x1024xi32, #tpu.memory_space<hbm>> -> memref<8x1024xi32, #tpu.memory_space<hbm>>
      tpu.wait_dma2 semaphore(%run_scoped3A : memref<!tpu.dma_semaphore, #tpu.memory_space<semaphore_mem>>) src(%dma_wait3A_79 : memref<8x1024xi32, #tpu.memory_space<hbm>>) dst(%arg7 : memref<8x1024xi32, #tpu.memory_space<vmem>>)
      tpu.yield
    }) : () -> ()
    %mul3A_2 = arith.constant 128 : i32
    %mul3A_3 = arith.muli %add3A, %mul3A_2 : i32
    %add3A_4 = arith.constant 0 : i32
    %add3A_5 = arith.addi %mul3A_3, %add3A_4 : i32
    %mul3A_6 = arith.constant 8 : i32
    %mul3A_7 = arith.muli %add3A_5, %mul3A_6 : i32
    %dma_start3A = arith.constant 0 : i32
    %dma_start3A_8 = tpu.memref_slice %arg2[%mul3A_7, %dma_start3A] : memref<32768x1024xf32, #tpu.memory_space<hbm>> -> memref<8x1024xf32, #tpu.memory_space<hbm>>
    %dma_start3A_9 = arith.constant 0 : i32
    %dma_start3A_10 = tpu.memref_slice %arg2[%mul3A_7, %dma_start3A_9] : memref<32768x1024xf32, #tpu.memory_space<hbm>> -> memref<8x1024xf32, #tpu.memory_space<hbm>>
    tpu.enqueue_dma source(%dma_start3A_10 : memref<8x1024xf32, #tpu.memory_space<hbm>>) target(%arg8 : memref<8x1024xf32, #tpu.memory_space<vmem>>) target_semaphore(%arg16 : memref<!tpu.dma_semaphore, #tpu.memory_space<semaphore_mem>>)
    %add3A_11 = arith.constant 1 : i32
    %add3A_12 = arith.addi %mul3A_3, %add3A_11 : i32
    %mul3A_13 = arith.constant 8 : i32
    %mul3A_14 = arith.muli %add3A_12, %mul3A_13 : i32
    %dma_start3A_15 = arith.constant 0 : i32
    %dma_start3A_16 = tpu.memref_slice %arg2[%mul3A_14, %dma_start3A_15] : memref<32768x1024xf32, #tpu.memory_space<hbm>> -> memref<8x1024xf32, #tpu.memory_space<hbm>>
    %dma_start3A_17 = arith.constant 0 : i32
    %dma_start3A_18 = tpu.memref_slice %arg2[%mul3A_14, %dma_start3A_17] : memref<32768x1024xf32, #tpu.memory_space<hbm>> -> memref<8x1024xf32, #tpu.memory_space<hbm>>
    tpu.enqueue_dma source(%dma_start3A_18 : memref<8x1024xf32, #tpu.memory_space<hbm>>) target(%arg9 : memref<8x1024xf32, #tpu.memory_space<vmem>>) target_semaphore(%arg17 : memref<!tpu.dma_semaphore, #tpu.memory_space<semaphore_mem>>)
    %add3A_19 = arith.constant 2 : i32
    %add3A_20 = arith.addi %mul3A_3, %add3A_19 : i32
    %mul3A_21 = arith.constant 8 : i32
    %mul3A_22 = arith.muli %add3A_20, %mul3A_21 : i32
    %dma_start3A_23 = arith.constant 0 : i32
    %dma_start3A_24 = tpu.memref_slice %arg2[%mul3A_22, %dma_start3A_23] : memref<32768x1024xf32, #tpu.memory_space<hbm>> -> memref<8x1024xf32, #tpu.memory_space<hbm>>
    %dma_start3A_25 = arith.constant 0 : i32
    %dma_start3A_26 = tpu.memref_slice %arg2[%mul3A_22, %dma_start3A_25] : memref<32768x1024xf32, #tpu.memory_space<hbm>> -> memref<8x1024xf32, #tpu.memory_space<hbm>>
    tpu.enqueue_dma source(%dma_start3A_26 : memref<8x1024xf32, #tpu.memory_space<hbm>>) target(%arg10 : memref<8x1024xf32, #tpu.memory_space<vmem>>) target_semaphore(%arg18 : memref<!tpu.dma_semaphore, #tpu.memory_space<semaphore_mem>>)
    %add3A_27 = arith.constant 3 : i32
    %add3A_28 = arith.addi %mul3A_3, %add3A_27 : i32
    %mul3A_29 = arith.constant 8 : i32
    %mul3A_30 = arith.muli %add3A_28, %mul3A_29 : i32
    %dma_start3A_31 = arith.constant 0 : i32
    %dma_start3A_32 = tpu.memref_slice %arg2[%mul3A_30, %dma_start3A_31] : memref<32768x1024xf32, #tpu.memory_space<hbm>> -> memref<8x1024xf32, #tpu.memory_space<hbm>>
    %dma_start3A_33 = arith.constant 0 : i32
    %dma_start3A_34 = tpu.memref_slice %arg2[%mul3A_30, %dma_start3A_33] : memref<32768x1024xf32, #tpu.memory_space<hbm>> -> memref<8x1024xf32, #tpu.memory_space<hbm>>
    tpu.enqueue_dma source(%dma_start3A_34 : memref<8x1024xf32, #tpu.memory_space<hbm>>) target(%arg11 : memref<8x1024xf32, #tpu.memory_space<vmem>>) target_semaphore(%arg19 : memref<!tpu.dma_semaphore, #tpu.memory_space<semaphore_mem>>)
    %scan3A = arith.constant 0 : i32
    %scan3A_35 = arith.constant 0 : i32
    %scan3A_36 = arith.constant 32 : i32
    %scan3A_37 = arith.addi %scan3A_35, %scan3A_36 : i32
    %scan3A_38 = arith.constant 1 : i32
    %scan3A_39 = scf.for %scan3A_64 = %scan3A_35 to %scan3A_37 step %scan3A_38 iter_args(%scan3A_65 = %scan3A) -> (i32)  : i32 {
      %mul3A_66 = arith.constant 4 : i32
      %mul3A_67 = arith.muli %scan3A_64, %mul3A_66 : i32
      %add3A_68 = arith.constant 0 : i32
      %add3A_69 = arith.addi %mul3A_67, %add3A_68 : i32
      %dma_wait3A_70 = arith.constant 0 : i32
      %dma_wait3A_71 = arith.constant 0 : i32
      %dma_wait3A_72 = tpu.memref_slice %arg2[%dma_wait3A_70, %dma_wait3A_71] : memref<32768x1024xf32, #tpu.memory_space<hbm>> -> memref<8x1024xf32, #tpu.memory_space<hbm>>
      %dma_wait3A_73 = arith.constant 0 : i32
      %dma_wait3A_74 = arith.constant 0 : i32
      %dma_wait3A_75 = tpu.memref_slice %arg2[%dma_wait3A_73, %dma_wait3A_74] : memref<32768x1024xf32, #tpu.memory_space<hbm>> -> memref<8x1024xf32, #tpu.memory_space<hbm>>
      tpu.wait_dma2 semaphore(%arg16 : memref<!tpu.dma_semaphore, #tpu.memory_space<semaphore_mem>>) src(%dma_wait3A_75 : memref<8x1024xf32, #tpu.memory_space<hbm>>) dst(%arg8 : memref<8x1024xf32, #tpu.memory_space<vmem>>)
      %ge3A = arith.constant 1 : i32
      %ge3A_76 = arith.cmpi sge, %scan3A_64, %ge3A : i32
      %convert_element_type3A = arith.extui %ge3A_76 : i1 to i32
      %cond3A = arith.constant 0 : i32
      %cond3A_77 = arith.cmpi ne, %convert_element_type3A, %cond3A : i32
      scf.if %cond3A_77 {
        %dma_wait3A_208 = arith.constant 0 : i32
        %dma_wait3A_209 = arith.constant 0 : i32
        %dma_wait3A_210 = tpu.memref_slice %arg5[%dma_wait3A_208, %dma_wait3A_209] : memref<32768x1024xf32, #tpu.memory_space<hbm>> -> memref<8x1024xf32, #tpu.memory_space<hbm>>
        %dma_wait3A_211 = arith.constant 0 : i32
        %dma_wait3A_212 = arith.constant 0 : i32
        %dma_wait3A_213 = tpu.memref_slice %arg5[%dma_wait3A_211, %dma_wait3A_212] : memref<32768x1024xf32, #tpu.memory_space<hbm>> -> memref<8x1024xf32, #tpu.memory_space<hbm>>
        tpu.wait_dma2 semaphore(%arg20 : memref<!tpu.dma_semaphore, #tpu.memory_space<semaphore_mem>>) src(%arg12 : memref<8x1024xf32, #tpu.memory_space<vmem>>) dst(%dma_wait3A_213 : memref<8x1024xf32, #tpu.memory_space<hbm>>)
      } else {
      }
      %mul3A_78 = arith.constant 4 : i32
      %mul3A_79 = arith.muli %add3A, %mul3A_78 : i32
      %div3A = arith.constant 32 : i32
      %div3A_80 = arith.divsi %add3A_69, %div3A : i32
      %add3A_81 = arith.addi %mul3A_79, %div3A_80 : i32
      %rem3A = arith.constant 8 : i32
      %rem3A_82 = arith.remsi %add3A_81, %rem3A : i32
      %parallel_loop3A = arith.constant 0 : i32
      %parallel_loop3A_83 = arith.constant 64 : i32
      %parallel_loop3A_84 = arith.constant 1 : i32
      scf.for %parallel_loop3A_208 = %parallel_loop3A to %parallel_loop3A_83 step %parallel_loop3A_84  : i32 {
        %parallel_loop3A_209 = arith.constant 16 : i32
        %parallel_loop3A_210 = arith.muli %parallel_loop3A_208, %parallel_loop3A_209 : i32
        %parallel_loop3A_211 = arith.index_cast %rem3A_82 : i32 to index
        %parallel_loop3A_212 = arith.index_cast %parallel_loop3A_210 : i32 to index
        %parallel_loop3A_213 = tpu.vector_load %arg7[%parallel_loop3A_211, %parallel_loop3A_212] {strides = array<i32>} : memref<8x1024xi32, #tpu.memory_space<vmem>>, vector<16xi32>,
        %parallel_loop3A_214 = arith.constant 0 : i32
        %parallel_loop3A_215 = vector.broadcast %parallel_loop3A_214 : i32 to vector<16xi32>
        %parallel_loop3A_216 = tpu.vector_load_idx %arg8[%parallel_loop3A_215, %parallel_loop3A_213] : memref<8x1024xf32, #tpu.memory_space<vmem>>[vector<16xi32>, vector<16xi32>], vector<16xf32>,
        %parallel_loop3A_217 = arith.constant 0 : i32
        %parallel_loop3A_218 = arith.index_cast %parallel_loop3A_217 : i32 to index
        %parallel_loop3A_219 = arith.index_cast %parallel_loop3A_210 : i32 to index
        %parallel_loop3A_220 = tpu.vector_load %arg12[%parallel_loop3A_218, %parallel_loop3A_219] {strides = array<i32>} : memref<8x1024xf32, #tpu.memory_space<vmem>>, vector<16xf32>,
        tpu.vector_store %arg12[%parallel_loop3A_218, %parallel_loop3A_219], %parallel_loop3A_216 {strides = array<i32>} : memref<8x1024xf32, #tpu.memory_space<vmem>>, vector<16xf32>,
        %parallel_loop3A_221 = arith.constant 1 : i32
        %parallel_loop3A_222 = vector.broadcast %parallel_loop3A_221 : i32 to vector<16xi32>
        %parallel_loop3A_223 = tpu.vector_load_idx %arg8[%parallel_loop3A_222, %parallel_loop3A_213] : memref<8x1024xf32, #tpu.memory_space<vmem>>[vector<16xi32>, vector<16xi32>], vector<16xf32>,
        %parallel_loop3A_224 = arith.constant 1 : i32
        %parallel_loop3A_225 = arith.index_cast %parallel_loop3A_224 : i32 to index
        %parallel_loop3A_226 = arith.index_cast %parallel_loop3A_210 : i32 to index
        %parallel_loop3A_227 = tpu.vector_load %arg12[%parallel_loop3A_225, %parallel_loop3A_226] {strides = array<i32>} : memref<8x1024xf32, #tpu.memory_space<vmem>>, vector<16xf32>,
        tpu.vector_store %arg12[%parallel_loop3A_225, %parallel_loop3A_226], %parallel_loop3A_223 {strides = array<i32>} : memref<8x1024xf32, #tpu.memory_space<vmem>>, vector<16xf32>,
        %parallel_loop3A_228 = arith.constant 2 : i32
        %parallel_loop3A_229 = vector.broadcast %parallel_loop3A_228 : i32 to vector<16xi32>
        %parallel_loop3A_230 = tpu.vector_load_idx %arg8[%parallel_loop3A_229, %parallel_loop3A_213] : memref<8x1024xf32, #tpu.memory_space<vmem>>[vector<16xi32>, vector<16xi32>], vector<16xf32>,
        %parallel_loop3A_231 = arith.constant 2 : i32
        %parallel_loop3A_232 = arith.index_cast %parallel_loop3A_231 : i32 to index
        %parallel_loop3A_233 = arith.index_cast %parallel_loop3A_210 : i32 to index
        %parallel_loop3A_234 = tpu.vector_load %arg12[%parallel_loop3A_232, %parallel_loop3A_233] {strides = array<i32>} : memref<8x1024xf32, #tpu.memory_space<vmem>>, vector<16xf32>,
        tpu.vector_store %arg12[%parallel_loop3A_232, %parallel_loop3A_233], %parallel_loop3A_230 {strides = array<i32>} : memref<8x1024xf32, #tpu.memory_space<vmem>>, vector<16xf32>,
        %parallel_loop3A_235 = arith.constant 3 : i32
        %parallel_loop3A_236 = vector.broadcast %parallel_loop3A_235 : i32 to vector<16xi32>
        %parallel_loop3A_237 = tpu.vector_load_idx %arg8[%parallel_loop3A_236, %parallel_loop3A_213] : memref<8x1024xf32, #tpu.memory_space<vmem>>[vector<16xi32>, vector<16xi32>], vector<16xf32>,
        %parallel_loop3A_238 = arith.constant 3 : i32
        %parallel_loop3A_239 = arith.index_cast %parallel_loop3A_238 : i32 to index
        %parallel_loop3A_240 = arith.index_cast %parallel_loop3A_210 : i32 to index
        %parallel_loop3A_241 = tpu.vector_load %arg12[%parallel_loop3A_239, %parallel_loop3A_240] {strides = array<i32>} : memref<8x1024xf32, #tpu.memory_space<vmem>>, vector<16xf32>,
        tpu.vector_store %arg12[%parallel_loop3A_239, %parallel_loop3A_240], %parallel_loop3A_237 {strides = array<i32>} : memref<8x1024xf32, #tpu.memory_space<vmem>>, vector<16xf32>,
        %parallel_loop3A_242 = arith.constant 4 : i32
        %parallel_loop3A_243 = vector.broadcast %parallel_loop3A_242 : i32 to vector<16xi32>
        %parallel_loop3A_244 = tpu.vector_load_idx %arg8[%parallel_loop3A_243, %parallel_loop3A_213] : memref<8x1024xf32, #tpu.memory_space<vmem>>[vector<16xi32>, vector<16xi32>], vector<16xf32>,
        %parallel_loop3A_245 = arith.constant 4 : i32
        %parallel_loop3A_246 = arith.index_cast %parallel_loop3A_245 : i32 to index
        %parallel_loop3A_247 = arith.index_cast %parallel_loop3A_210 : i32 to index
        %parallel_loop3A_248 = tpu.vector_load %arg12[%parallel_loop3A_246, %parallel_loop3A_247] {strides = array<i32>} : memref<8x1024xf32, #tpu.memory_space<vmem>>, vector<16xf32>,
        tpu.vector_store %arg12[%parallel_loop3A_246, %parallel_loop3A_247], %parallel_loop3A_244 {strides = array<i32>} : memref<8x1024xf32, #tpu.memory_space<vmem>>, vector<16xf32>,
        %parallel_loop3A_249 = arith.constant 5 : i32
        %parallel_loop3A_250 = vector.broadcast %parallel_loop3A_249 : i32 to vector<16xi32>
        %parallel_loop3A_251 = tpu.vector_load_idx %arg8[%parallel_loop3A_250, %parallel_loop3A_213] : memref<8x1024xf32, #tpu.memory_space<vmem>>[vector<16xi32>, vector<16xi32>], vector<16xf32>,
        %parallel_loop3A_252 = arith.constant 5 : i32
        %parallel_loop3A_253 = arith.index_cast %parallel_loop3A_252 : i32 to index
        %parallel_loop3A_254 = arith.index_cast %parallel_loop3A_210 : i32 to index
        %parallel_loop3A_255 = tpu.vector_load %arg12[%parallel_loop3A_253, %parallel_loop3A_254] {strides = array<i32>} : memref<8x1024xf32, #tpu.memory_space<vmem>>, vector<16xf32>,
        tpu.vector_store %arg12[%parallel_loop3A_253, %parallel_loop3A_254], %parallel_loop3A_251 {strides = array<i32>} : memref<8x1024xf32, #tpu.memory_space<vmem>>, vector<16xf32>,
        %parallel_loop3A_256 = arith.constant 6 : i32
        %parallel_loop3A_257 = vector.broadcast %parallel_loop3A_256 : i32 to vector<16xi32>
        %parallel_loop3A_258 = tpu.vector_load_idx %arg8[%parallel_loop3A_257, %parallel_loop3A_213] : memref<8x1024xf32, #tpu.memory_space<vmem>>[vector<16xi32>, vector<16xi32>], vector<16xf32>,
        %parallel_loop3A_259 = arith.constant 6 : i32
        %parallel_loop3A_260 = arith.index_cast %parallel_loop3A_259 : i32 to index
        %parallel_loop3A_261 = arith.index_cast %parallel_loop3A_210 : i32 to index
        %parallel_loop3A_262 = tpu.vector_load %arg12[%parallel_loop3A_260, %parallel_loop3A_261] {strides = array<i32>} : memref<8x1024xf32, #tpu.memory_space<vmem>>, vector<16xf32>,
        tpu.vector_store %arg12[%parallel_loop3A_260, %parallel_loop3A_261], %parallel_loop3A_258 {strides = array<i32>} : memref<8x1024xf32, #tpu.memory_space<vmem>>, vector<16xf32>,
        %parallel_loop3A_263 = arith.constant 7 : i32
        %parallel_loop3A_264 = vector.broadcast %parallel_loop3A_263 : i32 to vector<16xi32>
        %parallel_loop3A_265 = tpu.vector_load_idx %arg8[%parallel_loop3A_264, %parallel_loop3A_213] : memref<8x1024xf32, #tpu.memory_space<vmem>>[vector<16xi32>, vector<16xi32>], vector<16xf32>,
        %parallel_loop3A_266 = arith.constant 7 : i32
        %parallel_loop3A_267 = arith.index_cast %parallel_loop3A_266 : i32 to index
        %parallel_loop3A_268 = arith.index_cast %parallel_loop3A_210 : i32 to index
        %parallel_loop3A_269 = tpu.vector_load %arg12[%parallel_loop3A_267, %parallel_loop3A_268] {strides = array<i32>} : memref<8x1024xf32, #tpu.memory_space<vmem>>, vector<16xf32>,
        tpu.vector_store %arg12[%parallel_loop3A_267, %parallel_loop3A_268], %parallel_loop3A_265 {strides = array<i32>} : memref<8x1024xf32, #tpu.memory_space<vmem>>, vector<16xf32>,
      } {sc.loop_unroll_factor = 4 : i64, sc.parallel_access}
      %add3A_85 = arith.addi %mul3A_3, %add3A_69 : i32
      %mul3A_86 = arith.constant 8 : i32
      %mul3A_87 = arith.muli %add3A_85, %mul3A_86 : i32
      %dma_start3A_88 = arith.constant 0 : i32
      %dma_start3A_89 = tpu.memref_slice %arg5[%mul3A_87, %dma_start3A_88] : memref<32768x1024xf32, #tpu.memory_space<hbm>> -> memref<8x1024xf32, #tpu.memory_space<hbm>>
      %dma_start3A_90 = arith.constant 0 : i32
      %dma_start3A_91 = tpu.memref_slice %arg5[%mul3A_87, %dma_start3A_90] : memref<32768x1024xf32, #tpu.memory_space<hbm>> -> memref<8x1024xf32, #tpu.memory_space<hbm>>
      tpu.enqueue_dma source(%arg12 : memref<8x1024xf32, #tpu.memory_space<vmem>>) target(%dma_start3A_91 : memref<8x1024xf32, #tpu.memory_space<hbm>>) target_semaphore(%arg20 : memref<!tpu.dma_semaphore, #tpu.memory_space<semaphore_mem>>)
      %lt3A = arith.constant 31 : i32
      %lt3A_92 = arith.cmpi slt, %scan3A_64, %lt3A : i32
      %convert_element_type3A_93 = arith.extui %lt3A_92 : i1 to i32
      %cond3A_94 = arith.constant 0 : i32
      %cond3A_95 = arith.cmpi ne, %convert_element_type3A_93, %cond3A_94 : i32
      scf.if %cond3A_95 {
        %add3A_208 = arith.constant 4 : i32
        %add3A_209 = arith.addi %add3A_69, %add3A_208 : i32
        %add3A_210 = arith.addi %mul3A_3, %add3A_209 : i32
        %mul3A_211 = arith.constant 8 : i32
        %mul3A_212 = arith.muli %add3A_210, %mul3A_211 : i32
        %dma_start3A_213 = arith.constant 0 : i32
        %dma_start3A_214 = tpu.memref_slice %arg2[%mul3A_212, %dma_start3A_213] : memref<32768x1024xf32, #tpu.memory_space<hbm>> -> memref<8x1024xf32, #tpu.memory_space<hbm>>
        %dma_start3A_215 = arith.constant 0 : i32
        %dma_start3A_216 = tpu.memref_slice %arg2[%mul3A_212, %dma_start3A_215] : memref<32768x1024xf32, #tpu.memory_space<hbm>> -> memref<8x1024xf32, #tpu.memory_space<hbm>>
        tpu.enqueue_dma source(%dma_start3A_216 : memref<8x1024xf32, #tpu.memory_space<hbm>>) target(%arg8 : memref<8x1024xf32, #tpu.memory_space<vmem>>) target_semaphore(%arg16 : memref<!tpu.dma_semaphore, #tpu.memory_space<semaphore_mem>>)
      } else {
      }
      %mul3A_96 = arith.constant 4 : i32
      %mul3A_97 = arith.muli %scan3A_64, %mul3A_96 : i32
      %add3A_98 = arith.constant 1 : i32
      %add3A_99 = arith.addi %mul3A_97, %add3A_98 : i32
      %dma_wait3A_100 = arith.constant 0 : i32
      %dma_wait3A_101 = arith.constant 0 : i32
      %dma_wait3A_102 = tpu.memref_slice %arg2[%dma_wait3A_100, %dma_wait3A_101] : memref<32768x1024xf32, #tpu.memory_space<hbm>> -> memref<8x1024xf32, #tpu.memory_space<hbm>>
      %dma_wait3A_103 = arith.constant 0 : i32
      %dma_wait3A_104 = arith.constant 0 : i32
      %dma_wait3A_105 = tpu.memref_slice %arg2[%dma_wait3A_103, %dma_wait3A_104] : memref<32768x1024xf32, #tpu.memory_space<hbm>> -> memref<8x1024xf32, #tpu.memory_space<hbm>>
      tpu.wait_dma2 semaphore(%arg17 : memref<!tpu.dma_semaphore, #tpu.memory_space<semaphore_mem>>) src(%dma_wait3A_105 : memref<8x1024xf32, #tpu.memory_space<hbm>>) dst(%arg9 : memref<8x1024xf32, #tpu.memory_space<vmem>>)
      %ge3A_106 = arith.constant 1 : i32
      %ge3A_107 = arith.cmpi sge, %scan3A_64, %ge3A_106 : i32
      %convert_element_type3A_108 = arith.extui %ge3A_107 : i1 to i32
      %cond3A_109 = arith.constant 0 : i32
      %cond3A_110 = arith.cmpi ne, %convert_element_type3A_108, %cond3A_109 : i32
      scf.if %cond3A_110 {
        %dma_wait3A_208 = arith.constant 0 : i32
        %dma_wait3A_209 = arith.constant 0 : i32
        %dma_wait3A_210 = tpu.memref_slice %arg5[%dma_wait3A_208, %dma_wait3A_209] : memref<32768x1024xf32, #tpu.memory_space<hbm>> -> memref<8x1024xf32, #tpu.memory_space<hbm>>
        %dma_wait3A_211 = arith.constant 0 : i32
        %dma_wait3A_212 = arith.constant 0 : i32
        %dma_wait3A_213 = tpu.memref_slice %arg5[%dma_wait3A_211, %dma_wait3A_212] : memref<32768x1024xf32, #tpu.memory_space<hbm>> -> memref<8x1024xf32, #tpu.memory_space<hbm>>
        tpu.wait_dma2 semaphore(%arg21 : memref<!tpu.dma_semaphore, #tpu.memory_space<semaphore_mem>>) src(%arg13 : memref<8x1024xf32, #tpu.memory_space<vmem>>) dst(%dma_wait3A_213 : memref<8x1024xf32, #tpu.memory_space<hbm>>)
      } else {
      }
      %mul3A_111 = arith.constant 4 : i32
      %mul3A_112 = arith.muli %add3A, %mul3A_111 : i32
      %div3A_113 = arith.constant 32 : i32
      %div3A_114 = arith.divsi %add3A_99, %div3A_113 : i32
      %add3A_115 = arith.addi %mul3A_112, %div3A_114 : i32
      %rem3A_116 = arith.constant 8 : i32
      %rem3A_117 = arith.remsi %add3A_115, %rem3A_116 : i32
      %parallel_loop3A_118 = arith.constant 0 : i32
      %parallel_loop3A_119 = arith.constant 64 : i32
      %parallel_loop3A_120 = arith.constant 1 : i32
      scf.for %parallel_loop3A_208 = %parallel_loop3A_118 to %parallel_loop3A_119 step %parallel_loop3A_120  : i32 {
        %parallel_loop3A_209 = arith.constant 16 : i32
        %parallel_loop3A_210 = arith.muli %parallel_loop3A_208, %parallel_loop3A_209 : i32
        %parallel_loop3A_211 = arith.index_cast %rem3A_117 : i32 to index
        %parallel_loop3A_212 = arith.index_cast %parallel_loop3A_210 : i32 to index
        %parallel_loop3A_213 = tpu.vector_load %arg7[%parallel_loop3A_211, %parallel_loop3A_212] {strides = array<i32>} : memref<8x1024xi32, #tpu.memory_space<vmem>>, vector<16xi32>,
        %parallel_loop3A_214 = arith.constant 0 : i32
        %parallel_loop3A_215 = vector.broadcast %parallel_loop3A_214 : i32 to vector<16xi32>
        %parallel_loop3A_216 = tpu.vector_load_idx %arg9[%parallel_loop3A_215, %parallel_loop3A_213] : memref<8x1024xf32, #tpu.memory_space<vmem>>[vector<16xi32>, vector<16xi32>], vector<16xf32>,
        %parallel_loop3A_217 = arith.constant 0 : i32
        %parallel_loop3A_218 = arith.index_cast %parallel_loop3A_217 : i32 to index
        %parallel_loop3A_219 = arith.index_cast %parallel_loop3A_210 : i32 to index
        %parallel_loop3A_220 = tpu.vector_load %arg13[%parallel_loop3A_218, %parallel_loop3A_219] {strides = array<i32>} : memref<8x1024xf32, #tpu.memory_space<vmem>>, vector<16xf32>,
        tpu.vector_store %arg13[%parallel_loop3A_218, %parallel_loop3A_219], %parallel_loop3A_216 {strides = array<i32>} : memref<8x1024xf32, #tpu.memory_space<vmem>>, vector<16xf32>,
        %parallel_loop3A_221 = arith.constant 1 : i32
        %parallel_loop3A_222 = vector.broadcast %parallel_loop3A_221 : i32 to vector<16xi32>
        %parallel_loop3A_223 = tpu.vector_load_idx %arg9[%parallel_loop3A_222, %parallel_loop3A_213] : memref<8x1024xf32, #tpu.memory_space<vmem>>[vector<16xi32>, vector<16xi32>], vector<16xf32>,
        %parallel_loop3A_224 = arith.constant 1 : i32
        %parallel_loop3A_225 = arith.index_cast %parallel_loop3A_224 : i32 to index
        %parallel_loop3A_226 = arith.index_cast %parallel_loop3A_210 : i32 to index
        %parallel_loop3A_227 = tpu.vector_load %arg13[%parallel_loop3A_225, %parallel_loop3A_226] {strides = array<i32>} : memref<8x1024xf32, #tpu.memory_space<vmem>>, vector<16xf32>,
        tpu.vector_store %arg13[%parallel_loop3A_225, %parallel_loop3A_226], %parallel_loop3A_223 {strides = array<i32>} : memref<8x1024xf32, #tpu.memory_space<vmem>>, vector<16xf32>,
        %parallel_loop3A_228 = arith.constant 2 : i32
        %parallel_loop3A_229 = vector.broadcast %parallel_loop3A_228 : i32 to vector<16xi32>
        %parallel_loop3A_230 = tpu.vector_load_idx %arg9[%parallel_loop3A_229, %parallel_loop3A_213] : memref<8x1024xf32, #tpu.memory_space<vmem>>[vector<16xi32>, vector<16xi32>], vector<16xf32>,
        %parallel_loop3A_231 = arith.constant 2 : i32
        %parallel_loop3A_232 = arith.index_cast %parallel_loop3A_231 : i32 to index
        %parallel_loop3A_233 = arith.index_cast %parallel_loop3A_210 : i32 to index
        %parallel_loop3A_234 = tpu.vector_load %arg13[%parallel_loop3A_232, %parallel_loop3A_233] {strides = array<i32>} : memref<8x1024xf32, #tpu.memory_space<vmem>>, vector<16xf32>,
        tpu.vector_store %arg13[%parallel_loop3A_232, %parallel_loop3A_233], %parallel_loop3A_230 {strides = array<i32>} : memref<8x1024xf32, #tpu.memory_space<vmem>>, vector<16xf32>,
        %parallel_loop3A_235 = arith.constant 3 : i32
        %parallel_loop3A_236 = vector.broadcast %parallel_loop3A_235 : i32 to vector<16xi32>
        %parallel_loop3A_237 = tpu.vector_load_idx %arg9[%parallel_loop3A_236, %parallel_loop3A_213] : memref<8x1024xf32, #tpu.memory_space<vmem>>[vector<16xi32>, vector<16xi32>], vector<16xf32>,
        %parallel_loop3A_238 = arith.constant 3 : i32
        %parallel_loop3A_239 = arith.index_cast %parallel_loop3A_238 : i32 to index
        %parallel_loop3A_240 = arith.index_cast %parallel_loop3A_210 : i32 to index
        %parallel_loop3A_241 = tpu.vector_load %arg13[%parallel_loop3A_239, %parallel_loop3A_240] {strides = array<i32>} : memref<8x1024xf32, #tpu.memory_space<vmem>>, vector<16xf32>,
        tpu.vector_store %arg13[%parallel_loop3A_239, %parallel_loop3A_240], %parallel_loop3A_237 {strides = array<i32>} : memref<8x1024xf32, #tpu.memory_space<vmem>>, vector<16xf32>,
        %parallel_loop3A_242 = arith.constant 4 : i32
        %parallel_loop3A_243 = vector.broadcast %parallel_loop3A_242 : i32 to vector<16xi32>
        %parallel_loop3A_244 = tpu.vector_load_idx %arg9[%parallel_loop3A_243, %parallel_loop3A_213] : memref<8x1024xf32, #tpu.memory_space<vmem>>[vector<16xi32>, vector<16xi32>], vector<16xf32>,
        %parallel_loop3A_245 = arith.constant 4 : i32
        %parallel_loop3A_246 = arith.index_cast %parallel_loop3A_245 : i32 to index
        %parallel_loop3A_247 = arith.index_cast %parallel_loop3A_210 : i32 to index
        %parallel_loop3A_248 = tpu.vector_load %arg13[%parallel_loop3A_246, %parallel_loop3A_247] {strides = array<i32>} : memref<8x1024xf32, #tpu.memory_space<vmem>>, vector<16xf32>,
        tpu.vector_store %arg13[%parallel_loop3A_246, %parallel_loop3A_247], %parallel_loop3A_244 {strides = array<i32>} : memref<8x1024xf32, #tpu.memory_space<vmem>>, vector<16xf32>,
        %parallel_loop3A_249 = arith.constant 5 : i32
        %parallel_loop3A_250 = vector.broadcast %parallel_loop3A_249 : i32 to vector<16xi32>
        %parallel_loop3A_251 = tpu.vector_load_idx %arg9[%parallel_loop3A_250, %parallel_loop3A_213] : memref<8x1024xf32, #tpu.memory_space<vmem>>[vector<16xi32>, vector<16xi32>], vector<16xf32>,
        %parallel_loop3A_252 = arith.constant 5 : i32
        %parallel_loop3A_253 = arith.index_cast %parallel_loop3A_252 : i32 to index
        %parallel_loop3A_254 = arith.index_cast %parallel_loop3A_210 : i32 to index
        %parallel_loop3A_255 = tpu.vector_load %arg13[%parallel_loop3A_253, %parallel_loop3A_254] {strides = array<i32>} : memref<8x1024xf32, #tpu.memory_space<vmem>>, vector<16xf32>,
        tpu.vector_store %arg13[%parallel_loop3A_253, %parallel_loop3A_254], %parallel_loop3A_251 {strides = array<i32>} : memref<8x1024xf32, #tpu.memory_space<vmem>>, vector<16xf32>,
        %parallel_loop3A_256 = arith.constant 6 : i32
        %parallel_loop3A_257 = vector.broadcast %parallel_loop3A_256 : i32 to vector<16xi32>
        %parallel_loop3A_258 = tpu.vector_load_idx %arg9[%parallel_loop3A_257, %parallel_loop3A_213] : memref<8x1024xf32, #tpu.memory_space<vmem>>[vector<16xi32>, vector<16xi32>], vector<16xf32>,
        %parallel_loop3A_259 = arith.constant 6 : i32
        %parallel_loop3A_260 = arith.index_cast %parallel_loop3A_259 : i32 to index
        %parallel_loop3A_261 = arith.index_cast %parallel_loop3A_210 : i32 to index
        %parallel_loop3A_262 = tpu.vector_load %arg13[%parallel_loop3A_260, %parallel_loop3A_261] {strides = array<i32>} : memref<8x1024xf32, #tpu.memory_space<vmem>>, vector<16xf32>,
        tpu.vector_store %arg13[%parallel_loop3A_260, %parallel_loop3A_261], %parallel_loop3A_258 {strides = array<i32>} : memref<8x1024xf32, #tpu.memory_space<vmem>>, vector<16xf32>,
        %parallel_loop3A_263 = arith.constant 7 : i32
        %parallel_loop3A_264 = vector.broadcast %parallel_loop3A_263 : i32 to vector<16xi32>
        %parallel_loop3A_265 = tpu.vector_load_idx %arg9[%parallel_loop3A_264, %parallel_loop3A_213] : memref<8x1024xf32, #tpu.memory_space<vmem>>[vector<16xi32>, vector<16xi32>], vector<16xf32>,
        %parallel_loop3A_266 = arith.constant 7 : i32
        %parallel_loop3A_267 = arith.index_cast %parallel_loop3A_266 : i32 to index
        %parallel_loop3A_268 = arith.index_cast %parallel_loop3A_210 : i32 to index
        %parallel_loop3A_269 = tpu.vector_load %arg13[%parallel_loop3A_267, %parallel_loop3A_268] {strides = array<i32>} : memref<8x1024xf32, #tpu.memory_space<vmem>>, vector<16xf32>,
        tpu.vector_store %arg13[%parallel_loop3A_267, %parallel_loop3A_268], %parallel_loop3A_265 {strides = array<i32>} : memref<8x1024xf32, #tpu.memory_space<vmem>>, vector<16xf32>,
      } {sc.loop_unroll_factor = 4 : i64, sc.parallel_access}
      %add3A_121 = arith.addi %mul3A_3, %add3A_99 : i32
      %mul3A_122 = arith.constant 8 : i32
      %mul3A_123 = arith.muli %add3A_121, %mul3A_122 : i32
      %dma_start3A_124 = arith.constant 0 : i32
      %dma_start3A_125 = tpu.memref_slice %arg5[%mul3A_123, %dma_start3A_124] : memref<32768x1024xf32, #tpu.memory_space<hbm>> -> memref<8x1024xf32, #tpu.memory_space<hbm>>
      %dma_start3A_126 = arith.constant 0 : i32
      %dma_start3A_127 = tpu.memref_slice %arg5[%mul3A_123, %dma_start3A_126] : memref<32768x1024xf32, #tpu.memory_space<hbm>> -> memref<8x1024xf32, #tpu.memory_space<hbm>>
      tpu.enqueue_dma source(%arg13 : memref<8x1024xf32, #tpu.memory_space<vmem>>) target(%dma_start3A_127 : memref<8x1024xf32, #tpu.memory_space<hbm>>) target_semaphore(%arg21 : memref<!tpu.dma_semaphore, #tpu.memory_space<semaphore_mem>>)
      %lt3A_128 = arith.constant 31 : i32
      %lt3A_129 = arith.cmpi slt, %scan3A_64, %lt3A_128 : i32
      %convert_element_type3A_130 = arith.extui %lt3A_129 : i1 to i32
      %cond3A_131 = arith.constant 0 : i32
      %cond3A_132 = arith.cmpi ne, %convert_element_type3A_130, %cond3A_131 : i32
      scf.if %cond3A_132 {
        %add3A_208 = arith.constant 4 : i32
        %add3A_209 = arith.addi %add3A_99, %add3A_208 : i32
        %add3A_210 = arith.addi %mul3A_3, %add3A_209 : i32
        %mul3A_211 = arith.constant 8 : i32
        %mul3A_212 = arith.muli %add3A_210, %mul3A_211 : i32
        %dma_start3A_213 = arith.constant 0 : i32
        %dma_start3A_214 = tpu.memref_slice %arg2[%mul3A_212, %dma_start3A_213] : memref<32768x1024xf32, #tpu.memory_space<hbm>> -> memref<8x1024xf32, #tpu.memory_space<hbm>>
        %dma_start3A_215 = arith.constant 0 : i32
        %dma_start3A_216 = tpu.memref_slice %arg2[%mul3A_212, %dma_start3A_215] : memref<32768x1024xf32, #tpu.memory_space<hbm>> -> memref<8x1024xf32, #tpu.memory_space<hbm>>
        tpu.enqueue_dma source(%dma_start3A_216 : memref<8x1024xf32, #tpu.memory_space<hbm>>) target(%arg9 : memref<8x1024xf32, #tpu.memory_space<vmem>>) target_semaphore(%arg17 : memref<!tpu.dma_semaphore, #tpu.memory_space<semaphore_mem>>)
      } else {
      }
      %mul3A_133 = arith.constant 4 : i32
      %mul3A_134 = arith.muli %scan3A_64, %mul3A_133 : i32
      %add3A_135 = arith.constant 2 : i32
      %add3A_136 = arith.addi %mul3A_134, %add3A_135 : i32
      %dma_wait3A_137 = arith.constant 0 : i32
      %dma_wait3A_138 = arith.constant 0 : i32
      %dma_wait3A_139 = tpu.memref_slice %arg2[%dma_wait3A_137, %dma_wait3A_138] : memref<32768x1024xf32, #tpu.memory_space<hbm>> -> memref<8x1024xf32, #tpu.memory_space<hbm>>
      %dma_wait3A_140 = arith.constant 0 : i32
      %dma_wait3A_141 = arith.constant 0 : i32
      %dma_wait3A_142 = tpu.memref_slice %arg2[%dma_wait3A_140, %dma_wait3A_141] : memref<32768x1024xf32, #tpu.memory_space<hbm>> -> memref<8x1024xf32, #tpu.memory_space<hbm>>
      tpu.wait_dma2 semaphore(%arg18 : memref<!tpu.dma_semaphore, #tpu.memory_space<semaphore_mem>>) src(%dma_wait3A_142 : memref<8x1024xf32, #tpu.memory_space<hbm>>) dst(%arg10 : memref<8x1024xf32, #tpu.memory_space<vmem>>)
      %ge3A_143 = arith.constant 1 : i32
      %ge3A_144 = arith.cmpi sge, %scan3A_64, %ge3A_143 : i32
      %convert_element_type3A_145 = arith.extui %ge3A_144 : i1 to i32
      %cond3A_146 = arith.constant 0 : i32
      %cond3A_147 = arith.cmpi ne, %convert_element_type3A_145, %cond3A_146 : i32
      scf.if %cond3A_147 {
        %dma_wait3A_208 = arith.constant 0 : i32
        %dma_wait3A_209 = arith.constant 0 : i32
        %dma_wait3A_210 = tpu.memref_slice %arg5[%dma_wait3A_208, %dma_wait3A_209] : memref<32768x1024xf32, #tpu.memory_space<hbm>> -> memref<8x1024xf32, #tpu.memory_space<hbm>>
        %dma_wait3A_211 = arith.constant 0 : i32
        %dma_wait3A_212 = arith.constant 0 : i32
        %dma_wait3A_213 = tpu.memref_slice %arg5[%dma_wait3A_211, %dma_wait3A_212] : memref<32768x1024xf32, #tpu.memory_space<hbm>> -> memref<8x1024xf32, #tpu.memory_space<hbm>>
        tpu.wait_dma2 semaphore(%arg22 : memref<!tpu.dma_semaphore, #tpu.memory_space<semaphore_mem>>) src(%arg14 : memref<8x1024xf32, #tpu.memory_space<vmem>>) dst(%dma_wait3A_213 : memref<8x1024xf32, #tpu.memory_space<hbm>>)
      } else {
      }
      %mul3A_148 = arith.constant 4 : i32
      %mul3A_149 = arith.muli %add3A, %mul3A_148 : i32
      %div3A_150 = arith.constant 32 : i32
      %div3A_151 = arith.divsi %add3A_136, %div3A_150 : i32
      %add3A_152 = arith.addi %mul3A_149, %div3A_151 : i32
      %rem3A_153 = arith.constant 8 : i32
      %rem3A_154 = arith.remsi %add3A_152, %rem3A_153 : i32
      %parallel_loop3A_155 = arith.constant 0 : i32
      %parallel_loop3A_156 = arith.constant 64 : i32
      %parallel_loop3A_157 = arith.constant 1 : i32
      scf.for %parallel_loop3A_208 = %parallel_loop3A_155 to %parallel_loop3A_156 step %parallel_loop3A_157  : i32 {
        %parallel_loop3A_209 = arith.constant 16 : i32
        %parallel_loop3A_210 = arith.muli %parallel_loop3A_208, %parallel_loop3A_209 : i32
        %parallel_loop3A_211 = arith.index_cast %rem3A_154 : i32 to index
        %parallel_loop3A_212 = arith.index_cast %parallel_loop3A_210 : i32 to index
        %parallel_loop3A_213 = tpu.vector_load %arg7[%parallel_loop3A_211, %parallel_loop3A_212] {strides = array<i32>} : memref<8x1024xi32, #tpu.memory_space<vmem>>, vector<16xi32>,
        %parallel_loop3A_214 = arith.constant 0 : i32
        %parallel_loop3A_215 = vector.broadcast %parallel_loop3A_214 : i32 to vector<16xi32>
        %parallel_loop3A_216 = tpu.vector_load_idx %arg10[%parallel_loop3A_215, %parallel_loop3A_213] : memref<8x1024xf32, #tpu.memory_space<vmem>>[vector<16xi32>, vector<16xi32>], vector<16xf32>,
        %parallel_loop3A_217 = arith.constant 0 : i32
        %parallel_loop3A_218 = arith.index_cast %parallel_loop3A_217 : i32 to index
        %parallel_loop3A_219 = arith.index_cast %parallel_loop3A_210 : i32 to index
        %parallel_loop3A_220 = tpu.vector_load %arg14[%parallel_loop3A_218, %parallel_loop3A_219] {strides = array<i32>} : memref<8x1024xf32, #tpu.memory_space<vmem>>, vector<16xf32>,
        tpu.vector_store %arg14[%parallel_loop3A_218, %parallel_loop3A_219], %parallel_loop3A_216 {strides = array<i32>} : memref<8x1024xf32, #tpu.memory_space<vmem>>, vector<16xf32>,
        %parallel_loop3A_221 = arith.constant 1 : i32
        %parallel_loop3A_222 = vector.broadcast %parallel_loop3A_221 : i32 to vector<16xi32>
        %parallel_loop3A_223 = tpu.vector_load_idx %arg10[%parallel_loop3A_222, %parallel_loop3A_213] : memref<8x1024xf32, #tpu.memory_space<vmem>>[vector<16xi32>, vector<16xi32>], vector<16xf32>,
        %parallel_loop3A_224 = arith.constant 1 : i32
        %parallel_loop3A_225 = arith.index_cast %parallel_loop3A_224 : i32 to index
        %parallel_loop3A_226 = arith.index_cast %parallel_loop3A_210 : i32 to index
        %parallel_loop3A_227 = tpu.vector_load %arg14[%parallel_loop3A_225, %parallel_loop3A_226] {strides = array<i32>} : memref<8x1024xf32, #tpu.memory_space<vmem>>, vector<16xf32>,
        tpu.vector_store %arg14[%parallel_loop3A_225, %parallel_loop3A_226], %parallel_loop3A_223 {strides = array<i32>} : memref<8x1024xf32, #tpu.memory_space<vmem>>, vector<16xf32>,
        %parallel_loop3A_228 = arith.constant 2 : i32
        %parallel_loop3A_229 = vector.broadcast %parallel_loop3A_228 : i32 to vector<16xi32>
        %parallel_loop3A_230 = tpu.vector_load_idx %arg10[%parallel_loop3A_229, %parallel_loop3A_213] : memref<8x1024xf32, #tpu.memory_space<vmem>>[vector<16xi32>, vector<16xi32>], vector<16xf32>,
        %parallel_loop3A_231 = arith.constant 2 : i32
        %parallel_loop3A_232 = arith.index_cast %parallel_loop3A_231 : i32 to index
        %parallel_loop3A_233 = arith.index_cast %parallel_loop3A_210 : i32 to index
        %parallel_loop3A_234 = tpu.vector_load %arg14[%parallel_loop3A_232, %parallel_loop3A_233] {strides = array<i32>} : memref<8x1024xf32, #tpu.memory_space<vmem>>, vector<16xf32>,
        tpu.vector_store %arg14[%parallel_loop3A_232, %parallel_loop3A_233], %parallel_loop3A_230 {strides = array<i32>} : memref<8x1024xf32, #tpu.memory_space<vmem>>, vector<16xf32>,
        %parallel_loop3A_235 = arith.constant 3 : i32
        %parallel_loop3A_236 = vector.broadcast %parallel_loop3A_235 : i32 to vector<16xi32>
        %parallel_loop3A_237 = tpu.vector_load_idx %arg10[%parallel_loop3A_236, %parallel_loop3A_213] : memref<8x1024xf32, #tpu.memory_space<vmem>>[vector<16xi32>, vector<16xi32>], vector<16xf32>,
        %parallel_loop3A_238 = arith.constant 3 : i32
        %parallel_loop3A_239 = arith.index_cast %parallel_loop3A_238 : i32 to index
        %parallel_loop3A_240 = arith.index_cast %parallel_loop3A_210 : i32 to index
        %parallel_loop3A_241 = tpu.vector_load %arg14[%parallel_loop3A_239, %parallel_loop3A_240] {strides = array<i32>} : memref<8x1024xf32, #tpu.memory_space<vmem>>, vector<16xf32>,
        tpu.vector_store %arg14[%parallel_loop3A_239, %parallel_loop3A_240], %parallel_loop3A_237 {strides = array<i32>} : memref<8x1024xf32, #tpu.memory_space<vmem>>, vector<16xf32>,
        %parallel_loop3A_242 = arith.constant 4 : i32
        %parallel_loop3A_243 = vector.broadcast %parallel_loop3A_242 : i32 to vector<16xi32>
        %parallel_loop3A_244 = tpu.vector_load_idx %arg10[%parallel_loop3A_243, %parallel_loop3A_213] : memref<8x1024xf32, #tpu.memory_space<vmem>>[vector<16xi32>, vector<16xi32>], vector<16xf32>,
        %parallel_loop3A_245 = arith.constant 4 : i32
        %parallel_loop3A_246 = arith.index_cast %parallel_loop3A_245 : i32 to index
        %parallel_loop3A_247 = arith.index_cast %parallel_loop3A_210 : i32 to index
        %parallel_loop3A_248 = tpu.vector_load %arg14[%parallel_loop3A_246, %parallel_loop3A_247] {strides = array<i32>} : memref<8x1024xf32, #tpu.memory_space<vmem>>, vector<16xf32>,
        tpu.vector_store %arg14[%parallel_loop3A_246, %parallel_loop3A_247], %parallel_loop3A_244 {strides = array<i32>} : memref<8x1024xf32, #tpu.memory_space<vmem>>, vector<16xf32>,
        %parallel_loop3A_249 = arith.constant 5 : i32
        %parallel_loop3A_250 = vector.broadcast %parallel_loop3A_249 : i32 to vector<16xi32>
        %parallel_loop3A_251 = tpu.vector_load_idx %arg10[%parallel_loop3A_250, %parallel_loop3A_213] : memref<8x1024xf32, #tpu.memory_space<vmem>>[vector<16xi32>, vector<16xi32>], vector<16xf32>,
        %parallel_loop3A_252 = arith.constant 5 : i32
        %parallel_loop3A_253 = arith.index_cast %parallel_loop3A_252 : i32 to index
        %parallel_loop3A_254 = arith.index_cast %parallel_loop3A_210 : i32 to index
        %parallel_loop3A_255 = tpu.vector_load %arg14[%parallel_loop3A_253, %parallel_loop3A_254] {strides = array<i32>} : memref<8x1024xf32, #tpu.memory_space<vmem>>, vector<16xf32>,
        tpu.vector_store %arg14[%parallel_loop3A_253, %parallel_loop3A_254], %parallel_loop3A_251 {strides = array<i32>} : memref<8x1024xf32, #tpu.memory_space<vmem>>, vector<16xf32>,
        %parallel_loop3A_256 = arith.constant 6 : i32
        %parallel_loop3A_257 = vector.broadcast %parallel_loop3A_256 : i32 to vector<16xi32>
        %parallel_loop3A_258 = tpu.vector_load_idx %arg10[%parallel_loop3A_257, %parallel_loop3A_213] : memref<8x1024xf32, #tpu.memory_space<vmem>>[vector<16xi32>, vector<16xi32>], vector<16xf32>,
        %parallel_loop3A_259 = arith.constant 6 : i32
        %parallel_loop3A_260 = arith.index_cast %parallel_loop3A_259 : i32 to index
        %parallel_loop3A_261 = arith.index_cast %parallel_loop3A_210 : i32 to index
        %parallel_loop3A_262 = tpu.vector_load %arg14[%parallel_loop3A_260, %parallel_loop3A_261] {strides = array<i32>} : memref<8x1024xf32, #tpu.memory_space<vmem>>, vector<16xf32>,
        tpu.vector_store %arg14[%parallel_loop3A_260, %parallel_loop3A_261], %parallel_loop3A_258 {strides = array<i32>} : memref<8x1024xf32, #tpu.memory_space<vmem>>, vector<16xf32>,
        %parallel_loop3A_263 = arith.constant 7 : i32
        %parallel_loop3A_264 = vector.broadcast %parallel_loop3A_263 : i32 to vector<16xi32>
        %parallel_loop3A_265 = tpu.vector_load_idx %arg10[%parallel_loop3A_264, %parallel_loop3A_213] : memref<8x1024xf32, #tpu.memory_space<vmem>>[vector<16xi32>, vector<16xi32>], vector<16xf32>,
        %parallel_loop3A_266 = arith.constant 7 : i32
        %parallel_loop3A_267 = arith.index_cast %parallel_loop3A_266 : i32 to index
        %parallel_loop3A_268 = arith.index_cast %parallel_loop3A_210 : i32 to index
        %parallel_loop3A_269 = tpu.vector_load %arg14[%parallel_loop3A_267, %parallel_loop3A_268] {strides = array<i32>} : memref<8x1024xf32, #tpu.memory_space<vmem>>, vector<16xf32>,
        tpu.vector_store %arg14[%parallel_loop3A_267, %parallel_loop3A_268], %parallel_loop3A_265 {strides = array<i32>} : memref<8x1024xf32, #tpu.memory_space<vmem>>, vector<16xf32>,
      } {sc.loop_unroll_factor = 4 : i64, sc.parallel_access}
      %add3A_158 = arith.addi %mul3A_3, %add3A_136 : i32
      %mul3A_159 = arith.constant 8 : i32
      %mul3A_160 = arith.muli %add3A_158, %mul3A_159 : i32
      %dma_start3A_161 = arith.constant 0 : i32
      %dma_start3A_162 = tpu.memref_slice %arg5[%mul3A_160, %dma_start3A_161] : memref<32768x1024xf32, #tpu.memory_space<hbm>> -> memref<8x1024xf32, #tpu.memory_space<hbm>>
      %dma_start3A_163 = arith.constant 0 : i32
      %dma_start3A_164 = tpu.memref_slice %arg5[%mul3A_160, %dma_start3A_163] : memref<32768x1024xf32, #tpu.memory_space<hbm>> -> memref<8x1024xf32, #tpu.memory_space<hbm>>
      tpu.enqueue_dma source(%arg14 : memref<8x1024xf32, #tpu.memory_space<vmem>>) target(%dma_start3A_164 : memref<8x1024xf32, #tpu.memory_space<hbm>>) target_semaphore(%arg22 : memref<!tpu.dma_semaphore, #tpu.memory_space<semaphore_mem>>)
      %lt3A_165 = arith.constant 31 : i32
      %lt3A_166 = arith.cmpi slt, %scan3A_64, %lt3A_165 : i32
      %convert_element_type3A_167 = arith.extui %lt3A_166 : i1 to i32
      %cond3A_168 = arith.constant 0 : i32
      %cond3A_169 = arith.cmpi ne, %convert_element_type3A_167, %cond3A_168 : i32
      scf.if %cond3A_169 {
        %add3A_208 = arith.constant 4 : i32
        %add3A_209 = arith.addi %add3A_136, %add3A_208 : i32
        %add3A_210 = arith.addi %mul3A_3, %add3A_209 : i32
        %mul3A_211 = arith.constant 8 : i32
        %mul3A_212 = arith.muli %add3A_210, %mul3A_211 : i32
        %dma_start3A_213 = arith.constant 0 : i32
        %dma_start3A_214 = tpu.memref_slice %arg2[%mul3A_212, %dma_start3A_213] : memref<32768x1024xf32, #tpu.memory_space<hbm>> -> memref<8x1024xf32, #tpu.memory_space<hbm>>
        %dma_start3A_215 = arith.constant 0 : i32
        %dma_start3A_216 = tpu.memref_slice %arg2[%mul3A_212, %dma_start3A_215] : memref<32768x1024xf32, #tpu.memory_space<hbm>> -> memref<8x1024xf32, #tpu.memory_space<hbm>>
        tpu.enqueue_dma source(%dma_start3A_216 : memref<8x1024xf32, #tpu.memory_space<hbm>>) target(%arg10 : memref<8x1024xf32, #tpu.memory_space<vmem>>) target_semaphore(%arg18 : memref<!tpu.dma_semaphore, #tpu.memory_space<semaphore_mem>>)
      } else {
      }
      %mul3A_170 = arith.constant 4 : i32
      %mul3A_171 = arith.muli %scan3A_64, %mul3A_170 : i32
      %add3A_172 = arith.constant 3 : i32
      %add3A_173 = arith.addi %mul3A_171, %add3A_172 : i32
      %dma_wait3A_174 = arith.constant 0 : i32
      %dma_wait3A_175 = arith.constant 0 : i32
      %dma_wait3A_176 = tpu.memref_slice %arg2[%dma_wait3A_174, %dma_wait3A_175] : memref<32768x1024xf32, #tpu.memory_space<hbm>> -> memref<8x1024xf32, #tpu.memory_space<hbm>>
      %dma_wait3A_177 = arith.constant 0 : i32
      %dma_wait3A_178 = arith.constant 0 : i32
      %dma_wait3A_179 = tpu.memref_slice %arg2[%dma_wait3A_177, %dma_wait3A_178] : memref<32768x1024xf32, #tpu.memory_space<hbm>> -> memref<8x1024xf32, #tpu.memory_space<hbm>>
      tpu.wait_dma2 semaphore(%arg19 : memref<!tpu.dma_semaphore, #tpu.memory_space<semaphore_mem>>) src(%dma_wait3A_179 : memref<8x1024xf32, #tpu.memory_space<hbm>>) dst(%arg11 : memref<8x1024xf32, #tpu.memory_space<vmem>>)
      %ge3A_180 = arith.constant 1 : i32
      %ge3A_181 = arith.cmpi sge, %scan3A_64, %ge3A_180 : i32
      %convert_element_type3A_182 = arith.extui %ge3A_181 : i1 to i32
      %cond3A_183 = arith.constant 0 : i32
      %cond3A_184 = arith.cmpi ne, %convert_element_type3A_182, %cond3A_183 : i32
      scf.if %cond3A_184 {
        %dma_wait3A_208 = arith.constant 0 : i32
        %dma_wait3A_209 = arith.constant 0 : i32
        %dma_wait3A_210 = tpu.memref_slice %arg5[%dma_wait3A_208, %dma_wait3A_209] : memref<32768x1024xf32, #tpu.memory_space<hbm>> -> memref<8x1024xf32, #tpu.memory_space<hbm>>
        %dma_wait3A_211 = arith.constant 0 : i32
        %dma_wait3A_212 = arith.constant 0 : i32
        %dma_wait3A_213 = tpu.memref_slice %arg5[%dma_wait3A_211, %dma_wait3A_212] : memref<32768x1024xf32, #tpu.memory_space<hbm>> -> memref<8x1024xf32, #tpu.memory_space<hbm>>
        tpu.wait_dma2 semaphore(%arg23 : memref<!tpu.dma_semaphore, #tpu.memory_space<semaphore_mem>>) src(%arg15 : memref<8x1024xf32, #tpu.memory_space<vmem>>) dst(%dma_wait3A_213 : memref<8x1024xf32, #tpu.memory_space<hbm>>)
      } else {
      }
      %mul3A_185 = arith.constant 4 : i32
      %mul3A_186 = arith.muli %add3A, %mul3A_185 : i32
      %div3A_187 = arith.constant 32 : i32
      %div3A_188 = arith.divsi %add3A_173, %div3A_187 : i32
      %add3A_189 = arith.addi %mul3A_186, %div3A_188 : i32
      %rem3A_190 = arith.constant 8 : i32
      %rem3A_191 = arith.remsi %add3A_189, %rem3A_190 : i32
      %parallel_loop3A_192 = arith.constant 0 : i32
      %parallel_loop3A_193 = arith.constant 64 : i32
      %parallel_loop3A_194 = arith.constant 1 : i32
      scf.for %parallel_loop3A_208 = %parallel_loop3A_192 to %parallel_loop3A_193 step %parallel_loop3A_194  : i32 {
        %parallel_loop3A_209 = arith.constant 16 : i32
        %parallel_loop3A_210 = arith.muli %parallel_loop3A_208, %parallel_loop3A_209 : i32
        %parallel_loop3A_211 = arith.index_cast %rem3A_191 : i32 to index
        %parallel_loop3A_212 = arith.index_cast %parallel_loop3A_210 : i32 to index
        %parallel_loop3A_213 = tpu.vector_load %arg7[%parallel_loop3A_211, %parallel_loop3A_212] {strides = array<i32>} : memref<8x1024xi32, #tpu.memory_space<vmem>>, vector<16xi32>,
        %parallel_loop3A_214 = arith.constant 0 : i32
        %parallel_loop3A_215 = vector.broadcast %parallel_loop3A_214 : i32 to vector<16xi32>
        %parallel_loop3A_216 = tpu.vector_load_idx %arg11[%parallel_loop3A_215, %parallel_loop3A_213] : memref<8x1024xf32, #tpu.memory_space<vmem>>[vector<16xi32>, vector<16xi32>], vector<16xf32>,
        %parallel_loop3A_217 = arith.constant 0 : i32
        %parallel_loop3A_218 = arith.index_cast %parallel_loop3A_217 : i32 to index
        %parallel_loop3A_219 = arith.index_cast %parallel_loop3A_210 : i32 to index
        %parallel_loop3A_220 = tpu.vector_load %arg15[%parallel_loop3A_218, %parallel_loop3A_219] {strides = array<i32>} : memref<8x1024xf32, #tpu.memory_space<vmem>>, vector<16xf32>,
        tpu.vector_store %arg15[%parallel_loop3A_218, %parallel_loop3A_219], %parallel_loop3A_216 {strides = array<i32>} : memref<8x1024xf32, #tpu.memory_space<vmem>>, vector<16xf32>,
        %parallel_loop3A_221 = arith.constant 1 : i32
        %parallel_loop3A_222 = vector.broadcast %parallel_loop3A_221 : i32 to vector<16xi32>
        %parallel_loop3A_223 = tpu.vector_load_idx %arg11[%parallel_loop3A_222, %parallel_loop3A_213] : memref<8x1024xf32, #tpu.memory_space<vmem>>[vector<16xi32>, vector<16xi32>], vector<16xf32>,
        %parallel_loop3A_224 = arith.constant 1 : i32
        %parallel_loop3A_225 = arith.index_cast %parallel_loop3A_224 : i32 to index
        %parallel_loop3A_226 = arith.index_cast %parallel_loop3A_210 : i32 to index
        %parallel_loop3A_227 = tpu.vector_load %arg15[%parallel_loop3A_225, %parallel_loop3A_226] {strides = array<i32>} : memref<8x1024xf32, #tpu.memory_space<vmem>>, vector<16xf32>,
        tpu.vector_store %arg15[%parallel_loop3A_225, %parallel_loop3A_226], %parallel_loop3A_223 {strides = array<i32>} : memref<8x1024xf32, #tpu.memory_space<vmem>>, vector<16xf32>,
        %parallel_loop3A_228 = arith.constant 2 : i32
        %parallel_loop3A_229 = vector.broadcast %parallel_loop3A_228 : i32 to vector<16xi32>
        %parallel_loop3A_230 = tpu.vector_load_idx %arg11[%parallel_loop3A_229, %parallel_loop3A_213] : memref<8x1024xf32, #tpu.memory_space<vmem>>[vector<16xi32>, vector<16xi32>], vector<16xf32>,
        %parallel_loop3A_231 = arith.constant 2 : i32
        %parallel_loop3A_232 = arith.index_cast %parallel_loop3A_231 : i32 to index
        %parallel_loop3A_233 = arith.index_cast %parallel_loop3A_210 : i32 to index
        %parallel_loop3A_234 = tpu.vector_load %arg15[%parallel_loop3A_232, %parallel_loop3A_233] {strides = array<i32>} : memref<8x1024xf32, #tpu.memory_space<vmem>>, vector<16xf32>,
        tpu.vector_store %arg15[%parallel_loop3A_232, %parallel_loop3A_233], %parallel_loop3A_230 {strides = array<i32>} : memref<8x1024xf32, #tpu.memory_space<vmem>>, vector<16xf32>,
        %parallel_loop3A_235 = arith.constant 3 : i32
        %parallel_loop3A_236 = vector.broadcast %parallel_loop3A_235 : i32 to vector<16xi32>
        %parallel_loop3A_237 = tpu.vector_load_idx %arg11[%parallel_loop3A_236, %parallel_loop3A_213] : memref<8x1024xf32, #tpu.memory_space<vmem>>[vector<16xi32>, vector<16xi32>], vector<16xf32>,
        %parallel_loop3A_238 = arith.constant 3 : i32
        %parallel_loop3A_239 = arith.index_cast %parallel_loop3A_238 : i32 to index
        %parallel_loop3A_240 = arith.index_cast %parallel_loop3A_210 : i32 to index
        %parallel_loop3A_241 = tpu.vector_load %arg15[%parallel_loop3A_239, %parallel_loop3A_240] {strides = array<i32>} : memref<8x1024xf32, #tpu.memory_space<vmem>>, vector<16xf32>,
        tpu.vector_store %arg15[%parallel_loop3A_239, %parallel_loop3A_240], %parallel_loop3A_237 {strides = array<i32>} : memref<8x1024xf32, #tpu.memory_space<vmem>>, vector<16xf32>,
        %parallel_loop3A_242 = arith.constant 4 : i32
        %parallel_loop3A_243 = vector.broadcast %parallel_loop3A_242 : i32 to vector<16xi32>
        %parallel_loop3A_244 = tpu.vector_load_idx %arg11[%parallel_loop3A_243, %parallel_loop3A_213] : memref<8x1024xf32, #tpu.memory_space<vmem>>[vector<16xi32>, vector<16xi32>], vector<16xf32>,
        %parallel_loop3A_245 = arith.constant 4 : i32
        %parallel_loop3A_246 = arith.index_cast %parallel_loop3A_245 : i32 to index
        %parallel_loop3A_247 = arith.index_cast %parallel_loop3A_210 : i32 to index
        %parallel_loop3A_248 = tpu.vector_load %arg15[%parallel_loop3A_246, %parallel_loop3A_247] {strides = array<i32>} : memref<8x1024xf32, #tpu.memory_space<vmem>>, vector<16xf32>,
        tpu.vector_store %arg15[%parallel_loop3A_246, %parallel_loop3A_247], %parallel_loop3A_244 {strides = array<i32>} : memref<8x1024xf32, #tpu.memory_space<vmem>>, vector<16xf32>,
        %parallel_loop3A_249 = arith.constant 5 : i32
        %parallel_loop3A_250 = vector.broadcast %parallel_loop3A_249 : i32 to vector<16xi32>
        %parallel_loop3A_251 = tpu.vector_load_idx %arg11[%parallel_loop3A_250, %parallel_loop3A_213] : memref<8x1024xf32, #tpu.memory_space<vmem>>[vector<16xi32>, vector<16xi32>], vector<16xf32>,
        %parallel_loop3A_252 = arith.constant 5 : i32
        %parallel_loop3A_253 = arith.index_cast %parallel_loop3A_252 : i32 to index
        %parallel_loop3A_254 = arith.index_cast %parallel_loop3A_210 : i32 to index
        %parallel_loop3A_255 = tpu.vector_load %arg15[%parallel_loop3A_253, %parallel_loop3A_254] {strides = array<i32>} : memref<8x1024xf32, #tpu.memory_space<vmem>>, vector<16xf32>,
        tpu.vector_store %arg15[%parallel_loop3A_253, %parallel_loop3A_254], %parallel_loop3A_251 {strides = array<i32>} : memref<8x1024xf32, #tpu.memory_space<vmem>>, vector<16xf32>,
        %parallel_loop3A_256 = arith.constant 6 : i32
        %parallel_loop3A_257 = vector.broadcast %parallel_loop3A_256 : i32 to vector<16xi32>
        %parallel_loop3A_258 = tpu.vector_load_idx %arg11[%parallel_loop3A_257, %parallel_loop3A_213] : memref<8x1024xf32, #tpu.memory_space<vmem>>[vector<16xi32>, vector<16xi32>], vector<16xf32>,
        %parallel_loop3A_259 = arith.constant 6 : i32
        %parallel_loop3A_260 = arith.index_cast %parallel_loop3A_259 : i32 to index
        %parallel_loop3A_261 = arith.index_cast %parallel_loop3A_210 : i32 to index
        %parallel_loop3A_262 = tpu.vector_load %arg15[%parallel_loop3A_260, %parallel_loop3A_261] {strides = array<i32>} : memref<8x1024xf32, #tpu.memory_space<vmem>>, vector<16xf32>,
        tpu.vector_store %arg15[%parallel_loop3A_260, %parallel_loop3A_261], %parallel_loop3A_258 {strides = array<i32>} : memref<8x1024xf32, #tpu.memory_space<vmem>>, vector<16xf32>,
        %parallel_loop3A_263 = arith.constant 7 : i32
        %parallel_loop3A_264 = vector.broadcast %parallel_loop3A_263 : i32 to vector<16xi32>
        %parallel_loop3A_265 = tpu.vector_load_idx %arg11[%parallel_loop3A_264, %parallel_loop3A_213] : memref<8x1024xf32, #tpu.memory_space<vmem>>[vector<16xi32>, vector<16xi32>], vector<16xf32>,
        %parallel_loop3A_266 = arith.constant 7 : i32
        %parallel_loop3A_267 = arith.index_cast %parallel_loop3A_266 : i32 to index
        %parallel_loop3A_268 = arith.index_cast %parallel_loop3A_210 : i32 to index
        %parallel_loop3A_269 = tpu.vector_load %arg15[%parallel_loop3A_267, %parallel_loop3A_268] {strides = array<i32>} : memref<8x1024xf32, #tpu.memory_space<vmem>>, vector<16xf32>,
        tpu.vector_store %arg15[%parallel_loop3A_267, %parallel_loop3A_268], %parallel_loop3A_265 {strides = array<i32>} : memref<8x1024xf32, #tpu.memory_space<vmem>>, vector<16xf32>,
      } {sc.loop_unroll_factor = 4 : i64, sc.parallel_access}
      %add3A_195 = arith.addi %mul3A_3, %add3A_173 : i32
      %mul3A_196 = arith.constant 8 : i32
      %mul3A_197 = arith.muli %add3A_195, %mul3A_196 : i32
      %dma_start3A_198 = arith.constant 0 : i32
      %dma_start3A_199 = tpu.memref_slice %arg5[%mul3A_197, %dma_start3A_198] : memref<32768x1024xf32, #tpu.memory_space<hbm>> -> memref<8x1024xf32, #tpu.memory_space<hbm>>
      %dma_start3A_200 = arith.constant 0 : i32
      %dma_start3A_201 = tpu.memref_slice %arg5[%mul3A_197, %dma_start3A_200] : memref<32768x1024xf32, #tpu.memory_space<hbm>> -> memref<8x1024xf32, #tpu.memory_space<hbm>>
      tpu.enqueue_dma source(%arg15 : memref<8x1024xf32, #tpu.memory_space<vmem>>) target(%dma_start3A_201 : memref<8x1024xf32, #tpu.memory_space<hbm>>) target_semaphore(%arg23 : memref<!tpu.dma_semaphore, #tpu.memory_space<semaphore_mem>>)
      %lt3A_202 = arith.constant 31 : i32
      %lt3A_203 = arith.cmpi slt, %scan3A_64, %lt3A_202 : i32
      %convert_element_type3A_204 = arith.extui %lt3A_203 : i1 to i32
      %cond3A_205 = arith.constant 0 : i32
      %cond3A_206 = arith.cmpi ne, %convert_element_type3A_204, %cond3A_205 : i32
      scf.if %cond3A_206 {
        %add3A_208 = arith.constant 4 : i32
        %add3A_209 = arith.addi %add3A_173, %add3A_208 : i32
        %add3A_210 = arith.addi %mul3A_3, %add3A_209 : i32
        %mul3A_211 = arith.constant 8 : i32
        %mul3A_212 = arith.muli %add3A_210, %mul3A_211 : i32
        %dma_start3A_213 = arith.constant 0 : i32
        %dma_start3A_214 = tpu.memref_slice %arg2[%mul3A_212, %dma_start3A_213] : memref<32768x1024xf32, #tpu.memory_space<hbm>> -> memref<8x1024xf32, #tpu.memory_space<hbm>>
        %dma_start3A_215 = arith.constant 0 : i32
        %dma_start3A_216 = tpu.memref_slice %arg2[%mul3A_212, %dma_start3A_215] : memref<32768x1024xf32, #tpu.memory_space<hbm>> -> memref<8x1024xf32, #tpu.memory_space<hbm>>
        tpu.enqueue_dma source(%dma_start3A_216 : memref<8x1024xf32, #tpu.memory_space<hbm>>) target(%arg11 : memref<8x1024xf32, #tpu.memory_space<vmem>>) target_semaphore(%arg19 : memref<!tpu.dma_semaphore, #tpu.memory_space<semaphore_mem>>)
      } else {
      }
      %scan3A_207 = arith.constant 0 : i32
      scf.yield %scan3A_207 : i32
    }
    %scan3A_40 = arith.constant 32 : i32
    %dma_wait3A = arith.constant 0 : i32
    %dma_wait3A_41 = arith.constant 0 : i32
    %dma_wait3A_42 = tpu.memref_slice %arg5[%dma_wait3A, %dma_wait3A_41] : memref<32768x1024xf32, #tpu.memory_space<hbm>> -> memref<8x1024xf32, #tpu.memory_space<hbm>>
    %dma_wait3A_43 = arith.constant 0 : i32
    %dma_wait3A_44 = arith.constant 0 : i32
    %dma_wait3A_45 = tpu.memref_slice %arg5[%dma_wait3A_43, %dma_wait3A_44] : memref<32768x1024xf32, #tpu.memory_space<hbm>> -> memref<8x1024xf32, #tpu.memory_space<hbm>>
    tpu.wait_dma2 semaphore(%arg20 : memref<!tpu.dma_semaphore, #tpu.memory_space<semaphore_mem>>) src(%arg12 : memref<8x1024xf32, #tpu.memory_space<vmem>>) dst(%dma_wait3A_45 : memref<8x1024xf32, #tpu.memory_space<hbm>>)
    %dma_wait3A_46 = arith.constant 0 : i32
    %dma_wait3A_47 = arith.constant 0 : i32
    %dma_wait3A_48 = tpu.memref_slice %arg5[%dma_wait3A_46, %dma_wait3A_47] : memref<32768x1024xf32, #tpu.memory_space<hbm>> -> memref<8x1024xf32, #tpu.memory_space<hbm>>
    %dma_wait3A_49 = arith.constant 0 : i32
    %dma_wait3A_50 = arith.constant 0 : i32
    %dma_wait3A_51 = tpu.memref_slice %arg5[%dma_wait3A_49, %dma_wait3A_50] : memref<32768x1024xf32, #tpu.memory_space<hbm>> -> memref<8x1024xf32, #tpu.memory_space<hbm>>
    tpu.wait_dma2 semaphore(%arg21 : memref<!tpu.dma_semaphore, #tpu.memory_space<semaphore_mem>>) src(%arg13 : memref<8x1024xf32, #tpu.memory_space<vmem>>) dst(%dma_wait3A_51 : memref<8x1024xf32, #tpu.memory_space<hbm>>)
    %dma_wait3A_52 = arith.constant 0 : i32
    %dma_wait3A_53 = arith.constant 0 : i32
    %dma_wait3A_54 = tpu.memref_slice %arg5[%dma_wait3A_52, %dma_wait3A_53] : memref<32768x1024xf32, #tpu.memory_space<hbm>> -> memref<8x1024xf32, #tpu.memory_space<hbm>>
    %dma_wait3A_55 = arith.constant 0 : i32
    %dma_wait3A_56 = arith.constant 0 : i32
    %dma_wait3A_57 = tpu.memref_slice %arg5[%dma_wait3A_55, %dma_wait3A_56] : memref<32768x1024xf32, #tpu.memory_space<hbm>> -> memref<8x1024xf32, #tpu.memory_space<hbm>>
    tpu.wait_dma2 semaphore(%arg22 : memref<!tpu.dma_semaphore, #tpu.memory_space<semaphore_mem>>) src(%arg14 : memref<8x1024xf32, #tpu.memory_space<vmem>>) dst(%dma_wait3A_57 : memref<8x1024xf32, #tpu.memory_space<hbm>>)
    %dma_wait3A_58 = arith.constant 0 : i32
    %dma_wait3A_59 = arith.constant 0 : i32
    %dma_wait3A_60 = tpu.memref_slice %arg5[%dma_wait3A_58, %dma_wait3A_59] : memref<32768x1024xf32, #tpu.memory_space<hbm>> -> memref<8x1024xf32, #tpu.memory_space<hbm>>
    %dma_wait3A_61 = arith.constant 0 : i32
    %dma_wait3A_62 = arith.constant 0 : i32
    %dma_wait3A_63 = tpu.memref_slice %arg5[%dma_wait3A_61, %dma_wait3A_62] : memref<32768x1024xf32, #tpu.memory_space<hbm>> -> memref<8x1024xf32, #tpu.memory_space<hbm>>
    tpu.wait_dma2 semaphore(%arg23 : memref<!tpu.dma_semaphore, #tpu.memory_space<semaphore_mem>>) src(%arg15 : memref<8x1024xf32, #tpu.memory_space<vmem>>) dst(%dma_wait3A_63 : memref<8x1024xf32, #tpu.memory_space<hbm>>)
    return
  }
}

</mosaic_0001>

<sc_bundles>
// kernel: _run.3.cloned.1.call-start
scs
__scs_entry_jumppad:
0x0: {  	(pc) =	sbr.rel $0x88, $3  }
0x1: {  	(tag) =	ssettag $0x0;
	lr =	simm.s32 $0x1  }
0x2: {  	[smem:$0x3F9E] =	sst lr;
	_ =	strace $0xD0000000  }
0x3: {  	_ = 	snop  }
0x4: {  	_ = 	snop  }
0x5: {  	_ = 	snop  }
0x6: {  	_ = 	snop  }
0x7: {  	_ = 	snop  }
__scs_overlays_trampoline_lowered:
0x8: {  	[smem:$0x3FAD] =	sst s0  }
0x9: {  	[smem:$0x3FAE] =	sst s1  }
0xa: {  	[smem:$0x3FAF] =	sst s2  }
0xb: {  	[smem:$0x3FB0] =	sst s3  }
0xc: {  	[smem:$0x3FB1] =	sst s4  }
0xd: {  	[smem:$0x3FB2] =	sst s5  }
0xe: {  	[smem:$0x3FB3] =	sst s6  }
0xf: {  	[smem:$0x3FB4] =	sst s7  }
0x10: {  	[smem:$0x3FB5] =	sst s8  }
0x11: {  	[smem:$0x3FB6] =	sst s9;
	s0 =	simm.s32 @!p0 $0x0  }
0x12: {  	s1 =	sld [smem:$0x3F9C];
	s0 =	simm.s32 @p0 $0x1  }
0x13: {  	[smem:$0x3FB7] =	sst s0;
	s0 =	simm.s32 @!p1 $0x0  }
0x14: {  	s2 =	sld [smem:$0x3F9B];
	s0 =	simm.s32 @p1 $0x1  }
0x15: {  	[smem:$0x3FB8] =	sst s0;
	s0 =	simm.s32 @!p2 $0x0  }
0x16: {  	s3 =	sld [smem:$0x3FDB];
	s0 =	simm.s32 @p2 $0x1  }
0x17: {  	s4 =	simm.s32 $0x1BF5;
	[smem:$0x3FBA] =	sst s0  }
0x18: {  	s0 =	sld [smem:$0x3F9D];
	_ =	swait.ge [sflag:s4], $0x0  }
0x19: {  	s7 =	sld [smem:$0x3F9E]  }
0x1a: {  	s8 =	sadd.s32 $0xFFFFE003, lr  }
0x1b: {  	s9 =	sadd.s32 $0xFFFFFEF7, lr;
	s5 =	simm.s32 $0xFFFFFFFF;
	p2 =	slt.u32 s8, $0xFFFFF086  }
0x1c: {  	p1 =	slt.u32 s9, $0xF7A;
	s5 =	simm.s32 @!p2 $0x0  }
0x1d: {  	s5 =	simm.s32 @p1 $0x1;
	p0 =	seq.s32 s7, s2  }
0x1e: {  	s7 =	smul.u32 @!p0 $0xF7A, s2;
	p2 =	seq.s32 @!p0 s5, $0x0  }
0x1f: {  	s9 =	smul.u32 $0xF7A, s1;
	s8 =	simm.s32 @!p0 $0x1BF5;
	p2 =	por !p2, p0  }
0x20: {  	[sflag:s8] =	ssyncset.s32 @!p0 $0xFFFFF086;
	s6 =	sadd.s32 @!p0 s3, s7;
	s7 =	simm.s32 @!p0 $0x108  }
0x21: {  	s3 =	sadd.s32 s3, s9;
	s6 =	sadd.s32 @!p0 $0x88, s6;
	s7 =	simm.s32 @p2 $0x1082  }
0x22: {  	[simem:s7], [sflag:s8] =	dma.local @!p0 [hbm:s6], $0xF7A  }
0x23: {  	s9 =	sor.u32 $0xD0000000, s2;
	s6 =	simm.s32 $0x108;
	_ =	swait.ge @!p0 [sflag:s8], $0x0  }
0x24: {  	s3 =	sadd.s32 $0x88, s3;
	s6 =	simm.s32 @!p1 $0x1082;
	[sflag:s4] =	ssyncset.s32 $0xFFFFF086  }
0x25: {  	[simem:s6], [sflag:s4] =	dma.local [hbm:s3], $0xF7A  }
0x26: {  	[smem:$0x3F9E] =	sst s1;
	(tag) =	ssettag s2;
	_ =	strace s9  }
0x27: {  	s1 =	sld [smem:$0x3FAE]  }
0x28: {  	s2 =	sld [smem:$0x3FAF]  }
0x29: {  	s4 =	sld [smem:$0x3FB1]  }
0x2a: {  	p0 =	seq.s32 s5, $0x0;
	s5 =	sld [smem:$0x3FB2]  }
0x2b: {  	s6 =	sld [smem:$0x3FB3]  }
0x2c: {  	s7 =	sld [smem:$0x3FB4]  }
0x2d: {  	s3 =	simm.s32 $0x108;
	s8 =	sld [smem:$0x3FB5]  }
0x2e: {  	s3 =	simm.s32 @!p0 $0x1082;
	s9 =	sld [smem:$0x3FB6]  }
0x2f: {  	lr =	sadd.s32 s0, s3;
	s0 =	sld [smem:$0x3FAD]  }
0x30: {  	s3 =	sld [smem:$0x3FB0]  }
0x31: {  	[smem:$0x3FB9] =	sst s10  }
0x32: {  	s10 =	sld [smem:$0x3FB7];
	_ =	sdelay $0x3  }
0x33: {  	p0 =	seq.s32 s10, $0x1;
	s10 =	sld [smem:$0x3FB9];
	_ =	sdelay $0x3  }
0x34: {  	[smem:$0x3FB9] =	sst s10  }
0x35: {  	s10 =	sld [smem:$0x3FB8];
	_ =	sdelay $0x3  }
0x36: {  	p1 =	seq.s32 s10, $0x1;
	s10 =	sld [smem:$0x3FB9];
	_ =	sdelay $0x3  }
0x37: {  	[smem:$0x3FB9] =	sst s10  }
0x38: {  	s10 =	sld [smem:$0x3FBA]  }
0x39: {  	_ = 	snop;
	(pc) =	sbr.ind lr, $3  }
0x3a: {  	_ = 	snop  }
0x3b: {  	_ = 	snop  }
0x3c: {  	p2 =	seq.s32 s10, $0x1;
	s10 =	sld [smem:$0x3FB9]  }
0x3d: {  	_ =	shalt  }
0x3e: {  	_ =	shalt  }
0x3f: {  	_ =	shalt  }
0x40: {  	_ =	shalt  }
0x41: {  	_ =	shalt  }
0x42: {  	_ =	shalt  }
0x43: {  	_ =	shalt  }
0x44: {  	_ =	shalt  }
0x45: {  	_ =	shalt  }
0x46: {  	_ =	shalt  }
0x47: {  	_ =	shalt  }
0x48: {  	_ =	shalt  }
0x49: {  	_ =	shalt  }
0x4a: {  	_ =	shalt  }
0x4b: {  	_ =	shalt  }
0x4c: {  	_ =	shalt  }
0x4d: {  	_ =	shalt  }
0x4e: {  	_ =	shalt  }
0x4f: {  	_ =	shalt  }
0x50: {  	_ =	shalt  }
0x51: {  	_ =	shalt  }
0x52: {  	_ =	shalt  }
0x53: {  	_ =	shalt  }
0x54: {  	_ =	shalt  }
0x55: {  	_ =	shalt  }
0x56: {  	_ =	shalt  }
0x57: {  	_ =	shalt  }
0x58: {  	_ =	shalt  }
0x59: {  	_ =	shalt  }
0x5a: {  	_ =	shalt  }
0x5b: {  	_ =	shalt  }
0x5c: {  	_ =	shalt  }
0x5d: {  	_ =	shalt  }
0x5e: {  	_ =	shalt  }
0x5f: {  	_ =	shalt  }
0x60: {  	_ =	shalt  }
0x61: {  	_ =	shalt  }
0x62: {  	_ =	shalt  }
0x63: {  	_ =	shalt  }
0x64: {  	_ =	shalt  }
0x65: {  	_ =	shalt  }
0x66: {  	_ =	shalt  }
0x67: {  	_ =	shalt  }
0x68: {  	_ =	shalt  }
0x69: {  	_ =	shalt  }
0x6a: {  	_ =	shalt  }
0x6b: {  	_ =	shalt  }
0x6c: {  	_ =	shalt  }
0x6d: {  	_ =	shalt  }
0x6e: {  	_ =	shalt  }
0x6f: {  	_ =	shalt  }
0x70: {  	_ =	shalt  }
0x71: {  	_ =	shalt  }
0x72: {  	_ =	shalt  }
0x73: {  	_ =	shalt  }
0x74: {  	_ =	shalt  }
0x75: {  	_ =	shalt  }
0x76: {  	_ =	shalt  }
0x77: {  	_ =	shalt  }
0x78: {  	_ =	shalt  }
0x79: {  	_ =	shalt  }
0x7a: {  	_ =	shalt  }
0x7b: {  	_ =	shalt  }
0x7c: {  	_ =	shalt  }
0x7d: {  	_ =	shalt  }
0x7e: {  	_ =	shalt  }
0x7f: {  	_ =	shalt  }
0x80: {  	_ =	shalt  }
0x81: {  	_ =	shalt  }
0x82: {  	_ =	shalt  }
0x83: {  	_ =	shalt  }
0x84: {  	_ =	shalt  }
0x85: {  	_ =	shalt  }
0x86: {  	_ =	shalt  }
0x87: {  	_ =	shalt  }
.Lfunc_end0:
.L_simem_size_0:
called_computation_lowered:
.L_overlay_start_0:
0x88: {  	s2 =	sld [smem:$0x3FD9]  }
0x89: {  	s3 =	sld [smem:$0x3FFE];
	_ =	sdelay $0x1  }
0x8a: {  	s1 =	srdreg.scid  }
0x8b: {  	s0 =	sand.u32 $0x1, s1  }
0x8c: {  	s18 =	sshll.u32 s0, $0xA;
	s2 =	sadd.s32 s3, s2  }
0x8d: {  	s2 =	sadd.s32 s2, s18  }
0x8e: {  	[smem:$0x3FC5] =	sst s2  }
0x8f: {  	_ = 	snop  }
0x90: {  	s2 =	sld [smem:$0x3FC9]  }
0x91: {  	s19 =	sld [smem:$0x3FC8]  }
0x92: {  	s4 =	sld [smem:$0x3FC7]  }
0x93: {  	s5 =	sld [smem:$0x3FD0];
	(tm) =	ssettm $0x1  }
0x94: {  	s6 =	sld [smem:$0x3FFB];
	_ =	sdelay $0x3  }
0x95: {  	_ =	strace s6  }
0x96: {  	s6 =	sld [smem:$0x3FFC];
	_ =	sdelay $0x3  }
0x97: {  	_ =	strace s6  }
0x98: {  	s6 =	sld [smem:$0x3FFD];
	_ =	sdelay $0x3  }
0x99: {  	_ =	strace s6  }
0x9a: {  	_ =	strace $0x8FFFFFFF  }
0x9b: {  	s20 =	sld [smem:$0x3FDB];
	_ =	sdelay $0x1  }
0x9c: {  	s7 =	simm.s32 $_scs_section_size  }
0x9d: {  	s8 =	simm.s32 $_size__tile_overlayer_lowered;
	s9 =	simm.s32 $_tile_overlayer_lowered  }
0x9e: {  	s23 =	simm.s32 $0x1BFF;
	s22 =	sshll.u32 s9, $0x1;
	s6 =	sadd.s32 s7, s20  }
0x9f: {  	s10 =	simm.s32 $0x0;
	s21 =	sshll.u32 s8, $0x1;
	s8 =	sadd.s32 s22, s6  }
0xa0: {  	[timem:s10], [sflag:s23] =	dma.local [hbm:s8], s21  }
0xa1: {  	_ =	swait.ge [sflag:s23], s21  }
0xa2: {  	s7 =	ssub.s32 $0x0, s21;
	[sflag:s23] =	ssyncset.done $0x0  }
0xa3: {  	[sflag:s23] =	ssyncadd.s32 s7;
	_ =	sdelay $0x1  }
0xa4: {  	s24 =	simm.s32 $0x1B8B  }
0xa5: {  	_ =	swait.ge [sflag:s24], $0x1  }
0xa6: {  	[sflag:s24] =	ssyncset.done $0x0  }
0xa7: {  	s25 =	simm.s32 $0x1B8E;
	[sflag:s24] =	ssyncadd.s32 $0xFFFFFFFF  }
0xa8: {  	s26 =	simm.s32 $execute0_lowered;
	[smem:$0x3FD2] =	sst s25  }
0xa9: {  	s7 =	sshll.u32 s26, $0x1;
	_ =	strace $0x80000046;
	[dreg:$0x1] =	wrdreg $0xFFFFFFFF  }
0xaa: {  	s28 =	simm.s32 $_size_execute0_lowered;
	s6 =	sadd.s32 s6, s7;
	[dreg:$0x0] =	wrdreg $0x0  }
0xab: {  	s7 =	sshll.u32 s28, $0x1;
	[dreg:$0x2] =	wrdreg s6  }
0xac: {  	[dreg:$0x3] =	wrdreg s7  }
0xad: {  	[dreg:$0x4] =	wrdreg $0xC0  }
0xae: {  	_ =	task [dreg:s10], $0x5FFFF  }
0xaf: {  	[dreg:$0x1] =	wrdreg $0xFFFFFFFF  }
0xb0: {  	[dreg:$0x0] =	wrdreg $0x60  }
0xb1: {  	[dreg:$0x2] =	wrdreg s2  }
0xb2: {  	[dreg:$0x3] =	wrdreg s19  }
0xb3: {  	[dreg:$0x4] =	wrdreg s4  }
0xb4: {  	[dreg:$0x5] =	wrdreg s5  }
0xb5: {  	[dreg:$0x6] =	wrdreg $0x9  }
0xb6: {  	_ =	task.clear_ibuf [dreg:s10], $0x7FFFF;
	_ =	strace $0x90000046  }
0xb7: {  	s29 =	simm.s32 $0x9;
	_ =	strace $0x80000048  }
0xb8: {  	_ =	swait.ge [sflag:s29], $0x1  }
0xb9: {  	[sflag:s29] =	ssyncadd.s32 $0xFFFFFFFF  }
0xba: {  	_ =	strace $0x90000048  }
0xbb: {  	_ =	sfence  }
0xbc: {  	s30 =	sld [smem:$0x0];
	_ =	sdelay $0x2  }
0xbd: {  	s31 =	sshll.u32 s1, $0xD;
	s1 =	sshrl.u32 s1, $0x2  }
0xbe: {  	s3 =	sand.u32 $0x4000, s31;
	s1 =	sadd.s32 s1, s30  }
0xbf: {  	s0 =	sor.u32 s3, s0;
	s1 =	sshll.u32 s1, $0x11  }
0xc0: {  	s0 =	sor.u32 s1, s0  }
0xc1: {  	s0 =	sadd.s32 $0x8F2B, s0  }
0xc2: {  	[sflag:s0] =	ssyncadd.remote.s32 $0x1  }
0xc3: {  	_ =	sfence.sel $0xFFFF  }
0xc4: {  	[dreg:$0x0] =	wrdreg $0xFFFFFFFF;
	(pc) =	sbr.abs _section_cstart, $3  }
0xc5: {  	[dreg:$0x1] =	wrdreg $0xFFFFFFFF  }
0xc6: {  	_ =	task.clear_ibuf [dreg:s10], $0x2FFFF;
	_ =	strace $0x9FFFFFFF  }
0xc7: {  	(tm) =	ssettm $0x7FFFFFFF  }
tec
execute0_lowered:
.L_overlay_start_1:
0x0: {  	(tag) =	ssettag $0x1  }
0x1: {  	s5 =	rddreg [dreg:$0x0]  }
0x2: {  	s0 =	srdreg.scid;
	s1 =	stileid.u32  }
0x3: {  	s6 =	simm.s32 $0x0;
	s0 =	sand.u32 $0x1, s0;
	s1 =	sshll.u32 s1, $0x1  }
0x4: {  	[smem:$0x7FF] =	sst s6;
	s2 =	ssub.s32 $0x2, s0;
	s1 =	sor.u32 s0, s1  }
0x5: {  	s0 =	sshll.u32 s0, $0x9;
	s4 =	sshll.u32 s1, $0x11;
	s1 =	sshll.u32 s1, $0x7  }
0x6: {  	_ =	strace $0x80000047;
	s0 =	sor.u32 $0x80, s0;
	[dreg:$0x9] =	wrdreg s1  }
0x7: {  	s25 =	sadd.s32 s5, s4;
	[dreg:$0x12] =	wrdreg s0  }
0x8: {  	s28 =	sor.u32 $0x4, s1;
	[dreg:$0x8] =	wrdreg s25  }
0x9: {  	s29 =	sor.u32 $0x5, s1;
	[dreg:$0xd] =	wrdreg s28  }
0xa: {  	s30 =	sor.u32 $0x6, s1;
	[dreg:$0xe] =	wrdreg s29  }
0xb: {  	s16 =	simm.s32 $0x2080;
	s1 =	sor.u32 $0x7, s1;
	[dreg:$0xf] =	wrdreg s30  }
.Ltmp0:
0xc: {  	s4 =	sadd.s32 $0x400, s25;
	[dreg:$0x10] =	wrdreg s1;
	(pc) =	sbr.rel .LBB2_1-.Ltmp0, $4  }
0xd: {  	s3 =	sshrl.u32 s2, $0x1;
	s26 =	sadd.s32 $0x800, s25;
	[dreg:$0xa] =	wrdreg s4  }
0xe: {  	s2 =	ssub.s32 s2, s3;
	s3 =	sadd.s32 $0xC00, s25;
	[dreg:$0xb] =	wrdreg s26  }
0xf: {  	s23 =	simm.s32 $0x4080;
	s31 =	smax.u32 s2, $0x1;
	[dreg:$0xc] =	wrdreg s3  }
0x10: {  	s20 =	simm.s32 $0x8080;
	s2 =	simm.s32 $0x0;
	[dreg:$0x11] =	wrdreg s31  }
.LBB2_12:
0x11: {  	s0 =	simm.s32 $0x5  }
0x12: {  	_ =	swait.ge [sflag:s0], $0x2000  }
0x13: {  	[sflag:s0] =	ssyncset.done $0x0  }
0x14: {  	s29 =	simm.s32 $0x6;
	[sflag:s0] =	ssyncadd.s32 $0xFFFFE000  }
0x15: {  	_ =	swait.ge [sflag:s29], $0x2000  }
0x16: {  	[sflag:s29] =	ssyncset.done $0x0  }
0x17: {  	s30 =	simm.s32 $0x7;
	[sflag:s29] =	ssyncadd.s32 $0xFFFFE000  }
0x18: {  	_ =	swait.ge [sflag:s30], $0x2000  }
0x19: {  	[sflag:s30] =	ssyncset.done $0x0  }
0x1a: {  	s1 =	simm.s32 $0x8;
	[sflag:s30] =	ssyncadd.s32 $0xFFFFE000  }
0x1b: {  	_ =	swait.ge [sflag:s1], $0x2000  }
0x1c: {  	s2 =	rddreg [dreg:$0x13]  }
0x1d: {  	s31 =	rddreg [dreg:$0x11];
	s2 =	sadd.s32 $0x1, s2  }
0x1e: {  	p0 =	sne.s32 s2, s31  }
.Ltmp1:
0x1f: {  	_ = 	snop;
	(pc) =	sbr.rel @!p0 .LBB2_13-.Ltmp1, $3  }
0x20: {  	_ =	sdelay $0x1  }
0x21: {  	[sflag:s1] =	ssyncset.done $0x0  }
0x22: {  	[sflag:s1] =	ssyncadd.s32 $0xFFFFE000  }
.LBB2_1:
0x23: {  	[dreg:$0x13] =	wrdreg s2  }
0x24: {  	s0 =	rddreg [dreg:$0x2];
	s22 =	simm.s32 $0x9  }
0x25: {  	[tilespmem:s6], [sflag:$0x9] =	stream.linear.gather [hbm4b:s0+s6], $0x80, $0x38;
	[tilespmem:$0x12080] =	vst v63  }
0x26: {  	_ =	swait.ge [sflag:s22], $0x80  }
0x27: {  	[sflag:s22] =	ssyncset.done $0x0  }
0x28: {  	[sflag:s22] =	ssyncadd.s32 $0xFFFFFF80  }
0x29: {  	v0 =	vld [tilespmem:$0x0];
	_ =	sdelay $0x4  }
0x2a: {  	(v2sf) =	vpush v0, $0x0;
	_ =	sdelay $0xe  }
0x2b: {  	s24 =	spop (v2sf)  }
0x2c: {  	s0 =	sshll.u32 s24, $0xA  }
0x2d: {  	s1 =	rddreg [dreg:$0x1];
	s0 =	sand.u32 $0x1FFFFC00, s0  }
0x2e: {  	s25 =	simm.s32 $0x80;
	s0 =	sadd.s32 s1, s0  }
0x2f: {  	[tilespmem:s25], [sflag:$0x9] =	stream.linear.gather [hbm4b:s0+s6], $0x2000, $0x38;
	[tilespmem:$0x12080] =	vst v63  }
0x30: {  	_ =	swait.ge [sflag:s22], $0x2000  }
0x31: {  	[sflag:s22] =	ssyncset.done $0x0  }
0x32: {  	s26 =	rddreg [dreg:$0x8];
	[sflag:s22] =	ssyncadd.s32 $0xFFFFE000  }
0x33: {  	[tilespmem:s16], [sflag:$0x1] =	stream.linear.gather [hbm4b:s26+s6], $0x2000, $0x38;
	[tilespmem:$0x12080] =	vst v63  }
0x34: {  	s28 =	rddreg [dreg:$0xa]  }
0x35: {  	[tilespmem:s23], [sflag:$0x2] =	stream.linear.gather [hbm4b:s28+s6], $0x2000, $0x38;
	[tilespmem:$0x12080] =	vst v63  }
0x36: {  	s30 =	simm.s32 $0x6080;
	s29 =	rddreg [dreg:$0xb]  }
0x37: {  	[tilespmem:s30], [sflag:$0x3] =	stream.linear.gather [hbm4b:s29+s6], $0x2000, $0x38;
	[tilespmem:$0x12080] =	vst v63  }
0x38: {  	s15 =	simm.s32 $0x0;
	s31 =	rddreg [dreg:$0xc]  }
0x39: {  	[tilespmem:s20], [sflag:$0x4] =	stream.linear.gather [hbm4b:s31+s6], $0x2000, $0x38;
	[tilespmem:$0x12080] =	vst v63  }
.LBB2_2:
0x3a: {  	s1 =	simm.s32 $0x1  }
0x3b: {  	_ =	swait.ge [sflag:s1], $0x2000  }
0x3c: {  	p0 =	seq.s32 s15, $0x0;
	[sflag:s1] =	ssyncset.done $0x0  }
0x3d: {  	s0 =	sshll.u32 s15, $0x6;
	[sflag:s1] =	ssyncadd.s32 $0xFFFFE000;
	s1 =	simm.s32 @!p0 $0x5  }
0x3e: {  	s0 =	sshra.s32 s0, $0x2;
	_ =	swait.ge @!p0 [sflag:s1], $0x2000  }
0x3f: {  	s2 =	sand.u32 $0xFFFFFF80, s0;
	s0 =	simm.s32 $0x0;
	s3 =	rddreg [dreg:$0x12]  }
0x40: {  	s23 =	sand.u32 $0x40, s0;
	s24 =	sand.u32 $0x1C00, s0;
	s9 =	sadd.s32 s2, s3  }
0x41: {  	s5 =	sor.u32 $0x30, s23;
	[sflag:s1] =	ssyncset.done @!p0 $0x0;
	s4 =	sadd.s32 s24, s9  }
0x42: {  	[sflag:s1] =	ssyncadd.s32 @!p0 $0xFFFFE000;
	s25 =	sadd.s32 s5, s4  }
0x43: {  	v0 =	vld [tilespmem:s25+$0x0];
	_ =	sdelay $0x2  }
0x44: {  	s26 =	sor.u32 $0x10, s23;
	s6 =	sadd.s32 s23, s4  }
0x45: {  	s7 =	sadd.s32 s26, s4;
	v1 =	vld [tilespmem:s6+$0x0]  }
0x46: {  	v2 =	vld [tilespmem:s7+$0x0];
	v3 =	vshll.u32 v0, $0x3  }
0x47: {  	v0 =	vand.u32 $0x7F, v0;
	v3 =	vand.u32 $0xFFFFFC00, v3  }
0x48: {  	s29 =	sor.u32 $0x20, s23;
	v3 =	vor.u32 v0, v3  }
0x49: {  	s4 =	sadd.s32 s29, s4  }
0x4a: {  	v4 =	vshll.u32 v1, $0x3;
	v0 =	vld [tilespmem:s4+$0x0]  }
0x4b: {  	v5 =	vshll.u32 v2, $0x3;
	v1 =	vand.u32 $0x7F, v1;
	v4 =	vand.u32 $0xFFFFFC00, v4  }
0x4c: {  	v6 =	vand.u32 $0x7F, v2;
	v5 =	vand.u32 $0xFFFFFC00, v5;
	v2 =	vor.u32 v1, v4  }
0x4d: {  	v1 =	vor.u32 v6, v5;
	v4 =	vld.idx.msk [tilespmem:v3+s16+$0x0], $0xffff  }
0x4e: {  	v7 =	vor.u32 $0x80, v3  }
0x4f: {  	v5 =	vshll.u32 v0, $0x3  }
0x50: {  	s31 =	sor.u32 $0xA080, s24;
	v0 =	vand.u32 $0x7F, v0;
	v5 =	vand.u32 $0xFFFFFC00, v5  }
0x51: {  	s5 =	sor.u32 s5, s31;
	v6 =	vor.u32 v0, v5;
	v0 =	vld.idx.msk [tilespmem:v2+s16+$0x0], $0xffff  }
0x52: {  	v8 =	vld.idx.msk [tilespmem:v1+s16+$0x0], $0xffff;
	v5 =	vor.u32 $0x80, v2;
	[tilespmem:s5+$0x0] =	vst v4  }
0x53: {  	v4 =	vor.u32 $0x80, v1;
	v7 =	vld.idx.msk [tilespmem:v7+s16+$0x0], $0xffff  }
0x54: {  	v9 =	vor.u32 $0x100, v3  }
0x55: {  	s3 =	sor.u32 s23, s31  }
0x56: {  	s2 =	sor.u32 s26, s31;
	v10 =	vld.idx.msk [tilespmem:v6+s16+$0x0], $0xffff;
	[tilespmem:s3+$0x0] =	vst v0  }
0x57: {  	[tilespmem:s2+$0x0] =	vst v8;
	v0 =	vld.idx.msk [tilespmem:v5+s16+$0x0], $0xffff  }
0x58: {  	v11 =	vor.u32 $0x80, v6;
	v4 =	vld.idx.msk [tilespmem:v4+s16+$0x0], $0xffff;
	[tilespmem:s5+$0x80] =	vst v7  }
0x59: {  	v5 =	vor.u32 $0x100, v2;
	v8 =	vld.idx.msk [tilespmem:v9+s16+$0x0], $0xffff  }
0x5a: {  	s8 =	sor.u32 s29, s31;
	v7 =	vor.u32 $0x100, v1  }
0x5b: {  	[tilespmem:s8+$0x0] =	vst v10;
	v9 =	vor.u32 $0x180, v3  }
0x5c: {  	[tilespmem:s3+$0x80] =	vst v0  }
0x5d: {  	s17 =	simm.s32 $0x40;
	s7 =	simm.s32 $0x200;
	v10 =	vld.idx.msk [tilespmem:v11+s16+$0x0], $0xffff;
	[tilespmem:s2+$0x80] =	vst v4  }
0x5e: {  	s24 =	sand.u32 $0x40, s17;
	s12 =	sand.u32 $0x1C00, s7;
	v11 =	vor.u32 $0x100, v6;
	v0 =	vld.idx.msk [tilespmem:v5+s16+$0x0], $0xffff;
	[tilespmem:s5+$0x100] =	vst v8  }
0x5f: {  	s11 =	sor.u32 $0x30, s24;
	s25 =	sadd.s32 s12, s9;
	v4 =	vld.idx.msk [tilespmem:v7+s16+$0x0], $0xffff;
	[dreg:$0x5] =	wrdreg s9  }
0x60: {  	s10 =	sor.u32 $0x10, s24;
	s9 =	sadd.s32 s11, s25;
	v5 =	vld.idx.msk [tilespmem:v9+s16+$0x0], $0xffff  }
0x61: {  	s14 =	sadd.s32 s10, s25;
	v7 =	vor.u32 $0x200, v3;
	v8 =	vld [tilespmem:s9+$0x0]  }
0x62: {  	[tilespmem:s8+$0x80] =	vst v10;
	v13 =	vld [tilespmem:s14+$0x0]  }
0x63: {  	s26 =	sor.u32 $0x20, s24;
	s13 =	sadd.s32 s24, s25;
	v10 =	vor.u32 $0x180, v2;
	v9 =	vld.idx.msk [tilespmem:v11+s16+$0x0], $0xffff  }
0x64: {  	s4 =	sadd.s32 s26, s25;
	v12 =	vor.u32 $0x180, v1;
	v11 =	vld [tilespmem:s13+$0x0]  }
0x65: {  	p1 =	por $0x0, $0x0;
	v14 =	vld [tilespmem:s4+$0x0];
	s4 =	simm.s32 $0x1;
	[tilespmem:s5+$0x180] =	vst v5  }
0x66: {  	s4 =	simm.s32 @!p1 $0x0;
	v5 =	vor.u32 $0x180, v6;
	v15 =	vshll.u32 v8, $0x3;
	v7 =	vld.idx.msk [tilespmem:v7+s16+$0x0], $0xffff  }
0x67: {  	[tilespmem:s3+$0x100] =	vst v0;
	s4 =	sshll.u32 s4, $0x6;
	v0 =	vand.u32 $0x7F, v8;
	v8 =	vand.u32 $0xFFFFFC00, v15;
	v15 =	vor.u32 $0x280, v3  }
0x68: {  	v16 =	vor.u32 $0x200, v2;
	[tilespmem:s2+$0x100] =	vst v4;
	s4 =	sadd.s32 $0x0, s4;
	v4 =	vld.idx.msk [tilespmem:v10+s16+$0x0], $0xffff;
	v0 =	vor.u32 v0, v8  }
0x69: {  	s14 =	sadd.s32 $0x30, s4;
	v10 =	vld.idx.msk [tilespmem:v12+s16+$0x0], $0xffff;
	v17 =	vshll.u32 v13, $0x3;
	v13 =	vand.u32 $0x7F, v13;
	v12 =	vshll.u32 v11, $0x3  }
0x6a: {  	s29 =	sor.u32 $0x200, s14;
	[tilespmem:s8+$0x100] =	vst v9;
	v11 =	vand.u32 $0x7F, v11;
	v8 =	vor.u32 $0x200, v1;
	v9 =	vand.u32 $0xFFFFFC00, v12  }
0x6b: {  	v12 =	vand.u32 $0xFFFFFC00, v17;
	v17 =	vshll.u32 v14, $0x3;
	v23 =	vor.u32 v11, v9;
	v5 =	vld.idx.msk [tilespmem:v5+s16+$0x0], $0xffff;
	[tilespmem:s29+$0xA080] =	vst v7  }
0x6c: {  	v13 =	vor.u32 v13, v12;
	v9 =	vand.u32 $0x7F, v14;
	v7 =	vand.u32 $0xFFFFFC00, v17;
	v11 =	vld.idx.msk [tilespmem:v15+s16+$0x0], $0xffff  }
0x6d: {  	[tilespmem:s3+$0x180] =	vst v4;
	v27 =	vor.u32 v9, v7;
	v4 =	vld.idx.msk [tilespmem:v0+s16+$0x0], $0xffff  }
0x6e: {  	v12 =	vor.u32 $0x200, v6;
	[tilespmem:s2+$0x180] =	vst v10;
	v7 =	vld.idx.msk [tilespmem:v16+s16+$0x0], $0xffff  }
0x6f: {  	v9 =	vor.u32 $0x300, v3;
	v8 =	vld.idx.msk [tilespmem:v8+s16+$0x0], $0xffff  }
0x70: {  	s31 =	sor.u32 $0xA080, s12;
	v10 =	vor.u32 $0x80, v0;
	v14 =	vld.idx.msk [tilespmem:v23+s16+$0x0], $0xffff;
	[tilespmem:s8+$0x180] =	vst v5;
	s8 =	sor.u32 $0x280, s14  }
0x71: {  	s13 =	sor.u32 s11, s31;
	v15 =	vor.u32 $0x280, v2;
	v5 =	vld.idx.msk [tilespmem:v13+s16+$0x0], $0xffff;
	[tilespmem:s8+$0xA080] =	vst v11  }
0x72: {  	s12 =	sadd.s32 $0x10, s4;
	s19 =	sor.u32 $0x200, s4;
	v16 =	vor.u32 $0x80, v23;
	v17 =	vld.idx.msk [tilespmem:v27+s16+$0x0], $0xffff;
	[tilespmem:s13+$0x0] =	vst v4  }
0x73: {  	s20 =	sor.u32 $0x200, s12;
	v11 =	vor.u32 $0x80, v13;
	[tilespmem:s19+$0xA080] =	vst v7;
	v7 =	vld.idx.msk [tilespmem:v12+s16+$0x0], $0xffff  }
0x74: {  	s25 =	sor.u32 s24, s31;
	[tilespmem:s20+$0xA080] =	vst v8;
	v4 =	vld.idx.msk [tilespmem:v9+s16+$0x0], $0xffff;
	v9 =	vor.u32 $0x80, v27  }
0x75: {  	s18 =	sor.u32 s10, s31;
	v10 =	vld.idx.msk [tilespmem:v10+s16+$0x0], $0xffff;
	[tilespmem:s25+$0x0] =	vst v14;
	v14 =	vor.u32 $0x280, v1  }
0x76: {  	s9 =	sor.u32 s26, s31;
	s22 =	sadd.s32 $0x20, s4;
	v3 =	vor.u32 $0x380, v3;
	v12 =	vld.idx.msk [tilespmem:v15+s16+$0x0], $0xffff;
	[tilespmem:s18+$0x0] =	vst v5  }
0x77: {  	s23 =	sor.u32 $0x200, s22;
	v8 =	vor.u32 $0x100, v0;
	v15 =	vld.idx.msk [tilespmem:v16+s16+$0x0], $0xffff;
	[tilespmem:s9+$0x0] =	vst v17  }
0x78: {  	s21 =	sor.u32 $0x300, s14;
	v20 =	vld.idx.msk [tilespmem:v11+s16+$0x0], $0xffff;
	[tilespmem:s23+$0xA080] =	vst v7  }
0x79: {  	v19 =	vor.u32 $0x280, v6;
	v26 =	vld.idx.msk [tilespmem:v9+s16+$0x0], $0xffff;
	[tilespmem:s21+$0xA080] =	vst v4  }
0x7a: {  	v28 =	vor.u32 $0x300, v2;
	s24 =	sor.u32 $0x280, s4;
	[tilespmem:s13+$0x80] =	vst v10;
	v21 =	vld.idx.msk [tilespmem:v14+s16+$0x0], $0xffff  }
0x7b: {  	v24 =	vor.u32 $0x100, v23;
	v29 =	vor.u32 $0x100, v13;
	v18 =	vor.u32 $0x180, v13;
	[tilespmem:s24+$0xA080] =	vst v12;
	v30 =	vld.idx.msk [tilespmem:v3+s16+$0x0], $0xffff  }
0x7c: {  	s26 =	sshll.u32 s15, $0x2;
	v31 =	vor.u32 $0x100, v27;
	v16 =	vor.u32 $0x180, v27;
	v5 =	vor.u32 $0x300, v1;
	v32 =	vld.idx.msk [tilespmem:v8+s16+$0x0], $0xffff;
	[dreg:$0x14] =	wrdreg s15  }
0x7d: {  	v1 =	vor.u32 $0x380, v1;
	v17 =	vor.u32 $0x180, v23;
	v7 =	vor.u32 $0x280, v23;
	[dreg:$0x15] =	wrdreg s26  }
0x7e: {  	s28 =	simm.s32 $0x4;
	s0 =	sor.u32 s0, s0;
	s31 =	sor.u32 $0x380, s14;
	v4 =	vor.u32 $0x300, v6;
	v12 =	vor.u32 $0x200, v23;
	v3 =	vor.u32 $0x380, v2;
	[tilespmem:s25+$0x80] =	vst v15;
	v22 =	vld.idx.msk [tilespmem:v19+s16+$0x0], $0xffff  }
0x7f: {  	s30 =	sor.u32 $0x300, s22;
	s3 =	sor.u32 $0x380, s0;
	s29 =	sor.u32 s7, s17;
	v2 =	vor.u32 $0x380, v6;
	v6 =	vor.u32 $0x300, v23;
	v15 =	vor.u32 $0x380, v23;
	v23 =	vld.idx.msk [tilespmem:v28+s16+$0x0], $0xffff;
	[tilespmem:s18+$0x80] =	vst v20  }
0x80: {  	s0 =	sor.u32 $0x300, s12;
	s17 =	sor.u32 $0x280, s22;
	s2 =	sor.u32 $0x380, s29;
	v11 =	vor.u32 $0x200, v13;
	v10 =	vor.u32 $0x200, v27;
	v9 =	vor.u32 $0x280, v13;
	v25 =	vld.idx.msk [tilespmem:v24+s16+$0x0], $0xffff;
	[tilespmem:s9+$0x80] =	vst v26  }
0x81: {  	s14 =	sor.u32 $0x300, s4;
	s4 =	sor.u32 $0x380, s12;
	s19 =	sor.u32 $0x380, s22;
	v14 =	vor.u32 $0x380, v13;
	v8 =	vor.u32 $0x280, v27;
	v19 =	vor.u32 $0x300, v27;
	v24 =	vld.idx.msk [tilespmem:v29+s16+$0x0], $0xffff;
	[tilespmem:s31+$0xA080] =	vst v30  }
0x82: {  	s24 =	sor.u32 $0x280, s12;
	s12 =	simm.s32 $0x80;
	s15 =	simm.s32 $0x400;
	v20 =	vor.u32 $0x300, v13;
	v13 =	vor.u32 $0x380, v27;
	v27 =	vor.u32 $0x180, v0;
	v26 =	vld.idx.msk [tilespmem:v31+s16+$0x0], $0xffff;
	[tilespmem:s13+$0x100] =	vst v32  }
.LBB2_3:
0x83: {  	_ =	sdelay $0x3  }
0x84: {  	s26 =	sand.u32 $0x40, s12;
	s5 =	sand.u32 $0x1C00, s15;
	v27 =	vld.idx.msk [tilespmem:v27+s16+$0x0], $0xffff;
	s1 =	rddreg [dreg:$0x5];
	[tilespmem:s24+$0xA080] =	vst v21  }
0x85: {  	s1 =	sadd.s32 s5, s1;
	s29 =	sor.u32 $0x30, s26;
	[tilespmem:s17+$0xA080] =	vst v22;
	v21 =	vld.idx.msk [tilespmem:v5+s16+$0x0], $0xffff  }
0x86: {  	s8 =	sadd.s32 s29, s1;
	v22 =	vld.idx.msk [tilespmem:v4+s16+$0x0], $0xffff  }
0x87: {  	s6 =	sor.u32 $0x10, s26;
	s10 =	sadd.s32 s26, s1;
	[tilespmem:s25+$0x100] =	vst v25;
	v4 =	vmov v19;
	v19 =	vld [tilespmem:s8+$0x0]  }
0x88: {  	s31 =	sor.u32 $0x20, s26;
	s11 =	sadd.s32 s6, s1;
	v5 =	vmov v20;
	v20 =	vor.u32 $0x200, v0;
	[tilespmem:s18+$0x100] =	vst v24;
	v24 =	vld [tilespmem:s10+$0x0]  }
0x89: {  	s1 =	sadd.s32 s31, s1;
	[tilespmem:s9+$0x100] =	vst v26;
	v25 =	vld [tilespmem:s11+$0x0]  }
0x8a: {  	s23 =	simm.s32 $0x2080;
	[tilespmem:s14+$0xA080] =	vst v23;
	v23 =	vld [tilespmem:s1+$0x0]  }
0x8b: {  	[tilespmem:s13+$0x180] =	vst v27;
	v17 =	vld.idx.msk [tilespmem:v17+s23+$0x0], $0xffff  }
0x8c: {  	v28 =	vld.idx.msk [tilespmem:v3+s23+$0x0], $0xffff;
	[tilespmem:s0+$0xA080] =	vst v21;
	v21 =	vshll.u32 v19, $0x3  }
0x8d: {  	p1 =	por !p1, !p1;
	v20 =	vld.idx.msk [tilespmem:v20+s23+$0x0], $0xffff;
	s0 =	simm.s32 $0x1;
	[tilespmem:s30+$0xA080] =	vst v22;
	v19 =	vand.u32 $0x7F, v19;
	v22 =	vor.u32 $0x280, v0;
	v21 =	vand.u32 $0xFFFFFC00, v21  }
0x8e: {  	s0 =	simm.s32 @!p1 $0x0;
	v18 =	vld.idx.msk [tilespmem:v18+s23+$0x0], $0xffff;
	v26 =	vshll.u32 v24, $0x3;
	v27 =	vshll.u32 v25, $0x3;
	v21 =	vor.u32 v19, v21  }
0x8f: {  	v16 =	vld.idx.msk [tilespmem:v16+s23+$0x0], $0xffff;
	s0 =	sshll.u32 s0, $0x6;
	v19 =	vand.u32 $0xFFFFFC00, v26;
	v26 =	vand.u32 $0xFFFFFC00, v27;
	v27 =	vshll.u32 v23, $0x3  }
0x90: {  	v3 =	vmovc v15;
	v15 =	vand.u32 $0x7F, v24;
	v24 =	vand.u32 $0x7F, v25;
	s13 =	sadd.s32 s0, s7;
	v25 =	vand.u32 $0xFFFFFC00, v27;
	v27 =	vld.idx.msk [tilespmem:v1+s23+$0x0], $0xffff  }
0x91: {  	[tilespmem:s25+$0x180] =	vst v17;
	v1 =	vmov v14;
	v14 =	vor.u32 v15, v19;
	v19 =	vld.idx.msk [tilespmem:v2+s23+$0x0], $0xffff;
	s1 =	sadd.s32 $0x30, s13  }
0x92: {  	v33 =	vld.idx.msk [tilespmem:v12+s23+$0x0], $0xffff;
	[tilespmem:s3+$0xA080] =	vst v28;
	s14 =	sor.u32 $0x200, s1  }
0x93: {  	v24 =	vor.u32 v24, v26;
	v15 =	vand.u32 $0x7F, v23;
	[tilespmem:s14+$0xA080] =	vst v20  }
0x94: {  	s10 =	sor.u32 s15, s12;
	v25 =	vor.u32 v15, v25;
	[tilespmem:s18+$0x180] =	vst v18;
	v15 =	vld.idx.msk [tilespmem:v22+s23+$0x0], $0xffff  }
0x95: {  	v34 =	vor.u32 $0x300, v0;
	s16 =	sor.u32 $0x380, s10;
	v35 =	vor.u32 $0x80, v21;
	[tilespmem:s9+$0x180] =	vst v16;
	v31 =	vld.idx.msk [tilespmem:v21+s23+$0x0], $0xffff  }
0x96: {  	s3 =	smov.u32 s2;
	s2 =	smov.u32 s16;
	s16 =	simm.s32 $0x2080;
	v23 =	vor.u32 $0x80, v14;
	v26 =	vor.u32 $0x80, v24;
	v29 =	vor.u32 $0x100, v14;
	v36 =	vld.idx.msk [tilespmem:v11+s23+$0x0], $0xffff;
	[tilespmem:s4+$0xA080] =	vst v27  }
0x97: {  	s5 =	sor.u32 $0xA080, s5;
	s20 =	sor.u32 $0x200, s13;
	v30 =	vor.u32 $0x100, v24;
	v17 =	vor.u32 $0x180, v14;
	v12 =	vor.u32 $0x200, v14;
	v28 =	vld.idx.msk [tilespmem:v14+s16+$0x0], $0xffff;
	[tilespmem:s19+$0xA080] =	vst v19  }
0x98: {  	s21 =	sadd.s32 $0x10, s13;
	s22 =	sadd.s32 $0x20, s13;
	v39 =	vor.u32 $0x280, v24;
	v41 =	vor.u32 $0x300, v14;
	v32 =	vor.u32 $0x100, v25;
	s23 =	sor.u32 $0x280, s1;
	[tilespmem:s20+$0xA080] =	vst v33;
	v38 =	vld.idx.msk [tilespmem:v24+s16+$0x0], $0xffff  }
0x99: {  	s10 =	sor.u32 $0x280, s13;
	v37 =	vor.u32 $0x200, v25;
	v40 =	vor.u32 $0x280, v25;
	s14 =	sor.u32 $0x300, s13;
	v18 =	vor.u32 $0x180, v24;
	s13 =	sor.u32 s29, s5;
	v42 =	vld.idx.msk [tilespmem:v25+s16+$0x0], $0xffff;
	[tilespmem:s23+$0xA080] =	vst v15  }
0x9a: {  	s11 =	sor.u32 $0x200, s21;
	v20 =	vor.u32 $0x300, v24;
	v22 =	vor.u32 $0x80, v25;
	v11 =	vor.u32 $0x200, v24;
	v60 =	vld.idx.msk [tilespmem:v10+s16+$0x0], $0xffff;
	[tilespmem:s13+$0x0] =	vst v31  }
0x9b: {  	s25 =	sor.u32 s26, s5;
	v27 =	vor.u32 $0x280, v14;
	v15 =	vor.u32 $0x380, v14;
	v14 =	vor.u32 $0x380, v24;
	[tilespmem:s11+$0xA080] =	vst v36;
	v24 =	vld.idx.msk [tilespmem:v34+s16+$0x0], $0xffff  }
0x9c: {  	v2 =	vmovc v13;
	v13 =	vor.u32 $0x380, v25;
	v16 =	vor.u32 $0x180, v25;
	s18 =	sor.u32 s6, s5;
	v19 =	vor.u32 $0x300, v25;
	[tilespmem:s25+$0x0] =	vst v28;
	v25 =	vld.idx.msk [tilespmem:v35+s16+$0x0], $0xffff  }
0x9d: {  	v61 =	vor.u32 $0x380, v0;
	v0 =	vmov v21;
	s9 =	sor.u32 s31, s5;
	v28 =	vld.idx.msk [tilespmem:v7+s16+$0x0], $0xffff;
	[tilespmem:s18+$0x0] =	vst v38  }
0x9e: {  	s8 =	sor.u32 $0x200, s22;
	v21 =	vor.u32 $0x100, v0;
	v23 =	vld.idx.msk [tilespmem:v23+s16+$0x0], $0xffff;
	[tilespmem:s9+$0x0] =	vst v42  }
0x9f: {  	s31 =	sor.u32 $0x300, s1;
	v62 =	vld.idx.msk [tilespmem:v22+s16+$0x0], $0xffff;
	[tilespmem:s8+$0xA080] =	vst v60  }
0xa0: {  	v26 =	vld.idx.msk [tilespmem:v26+s16+$0x0], $0xffff;
	[tilespmem:s31+$0xA080] =	vst v24  }
0xa1: {  	v22 =	vld.idx.msk [tilespmem:v8+s16+$0x0], $0xffff;
	[tilespmem:s13+$0x80] =	vst v25  }
0xa2: {  	s28 =	sadd.s32 $0x4, s28;
	v33 =	vld.idx.msk [tilespmem:v61+s16+$0x0], $0xffff  }
0xa3: {  	p2 =	slt.u32 s28, $0x3C;
	[tilespmem:s10+$0xA080] =	vst v28;
	v63 =	vld.idx.msk [tilespmem:v21+s16+$0x0], $0xffff  }
.Ltmp2:
0xa4: {  	[tilespmem:s25+$0x80] =	vst v23;
	v21 =	vld.idx.msk [tilespmem:v9+s16+$0x0], $0xffff;
	(pc) =	sbr.rel @p2 .LBB2_3-.Ltmp2, $4  }
0xa5: {  	s12 =	sadd.s32 $0x40, s12;
	s7 =	smov.u32 s15;
	s24 =	sor.u32 $0x280, s21;
	[tilespmem:s9+$0x80] =	vst v62;
	v25 =	vld.idx.msk [tilespmem:v29+s16+$0x0], $0xffff  }
0xa6: {  	s17 =	sor.u32 $0x280, s22;
	s0 =	sor.u32 $0x300, s21;
	s1 =	sor.u32 $0x380, s1;
	[tilespmem:s18+$0x80] =	vst v26;
	v26 =	vld.idx.msk [tilespmem:v32+s16+$0x0], $0xffff  }
0xa7: {  	s30 =	sor.u32 $0x300, s22;
	s21 =	sor.u32 $0x380, s21;
	s22 =	sor.u32 $0x380, s22;
	v10 =	vmov v37;
	v23 =	vld.idx.msk [tilespmem:v6+s16+$0x0], $0xffff;
	[tilespmem:s1+$0xA080] =	vst v33  }
0xa8: {  	s15 =	sadd.s32 $0x200, s15;
	s4 =	smov.u32 s21;
	s19 =	smov.u32 s22;
	v7 =	vmovc v27;
	v27 =	vor.u32 $0x180, v0;
	v8 =	vmovc v40;
	v9 =	vmov v39;
	v6 =	vmov v41;
	v24 =	vld.idx.msk [tilespmem:v30+s16+$0x0], $0xffff;
	[tilespmem:s13+$0x100] =	vst v63  }
0xa9: {  	_ =	sdelay $0x3  }
0xaa: {  	v27 =	vld.idx.msk [tilespmem:v27+s16+$0x0], $0xffff;
	[tilespmem:s25+$0x100] =	vst v25  }
0xab: {  	v25 =	vor.u32 $0x200, v0;
	v17 =	vld.idx.msk [tilespmem:v17+s16+$0x0], $0xffff;
	_ =	sdelay $0x1  }
0xac: {  	[tilespmem:s9+$0x100] =	vst v26  }
0xad: {  	v16 =	vld.idx.msk [tilespmem:v16+s16+$0x0], $0xffff;
	[tilespmem:s18+$0x100] =	vst v24  }
0xae: {  	p1 =	por !p1, !p1;
	s1 =	simm.s32 $0x1;
	v18 =	vld.idx.msk [tilespmem:v18+s16+$0x0], $0xffff;
	[tilespmem:s13+$0x180] =	vst v27  }
0xaf: {  	s1 =	simm.s32 @!p1 $0x0;
	v24 =	vld.idx.msk [tilespmem:v25+s16+$0x0], $0xffff;
	[tilespmem:s25+$0x180] =	vst v17  }
0xb0: {  	[tilespmem:s24+$0xA080] =	vst v21;
	s1 =	sshll.u32 s1, $0x6;
	v17 =	vor.u32 $0x280, v0;
	v12 =	vld.idx.msk [tilespmem:v12+s16+$0x0], $0xffff  }
0xb1: {  	[tilespmem:s17+$0xA080] =	vst v22;
	s1 =	sadd.s32 s1, s7  }
0xb2: {  	v5 =	vld.idx.msk [tilespmem:v5+s16+$0x0], $0xffff;
	s5 =	sadd.s32 $0x30, s1;
	[tilespmem:s9+$0x180] =	vst v16  }
0xb3: {  	s6 =	sor.u32 $0x200, s5;
	v10 =	vld.idx.msk [tilespmem:v10+s16+$0x0], $0xffff;
	[tilespmem:s18+$0x180] =	vst v18  }
0xb4: {  	s8 =	sor.u32 $0x200, s1;
	v11 =	vld.idx.msk [tilespmem:v11+s16+$0x0], $0xffff;
	[tilespmem:s6+$0xA080] =	vst v24  }
0xb5: {  	v16 =	vld.idx.msk [tilespmem:v17+s16+$0x0], $0xffff;
	[tilespmem:s8+$0xA080] =	vst v12  }
0xb6: {  	[tilespmem:s14+$0xA080] =	vst v23;
	s13 =	sadd.s32 $0x20, s1;
	v12 =	vor.u32 $0x300, v0;
	v7 =	vld.idx.msk [tilespmem:v7+s16+$0x0], $0xffff  }
0xb7: {  	v4 =	vld.idx.msk [tilespmem:v4+s16+$0x0], $0xffff;
	s7 =	sadd.s32 $0x10, s1;
	s17 =	sor.u32 $0x200, s13;
	[tilespmem:s0+$0xA080] =	vst v5  }
0xb8: {  	v3 =	vld.idx.msk [tilespmem:v3+s16+$0x0], $0xffff;
	s15 =	sor.u32 $0x200, s7;
	[tilespmem:s17+$0xA080] =	vst v10  }
0xb9: {  	s18 =	sor.u32 $0x280, s5;
	v8 =	vld.idx.msk [tilespmem:v8+s16+$0x0], $0xffff;
	[tilespmem:s15+$0xA080] =	vst v11  }
0xba: {  	s20 =	sor.u32 $0x280, s1;
	v9 =	vld.idx.msk [tilespmem:v9+s16+$0x0], $0xffff;
	[tilespmem:s18+$0xA080] =	vst v16  }
0xbb: {  	v5 =	vld.idx.msk [tilespmem:v12+s16+$0x0], $0xffff;
	[tilespmem:s20+$0xA080] =	vst v7  }
0xbc: {  	[tilespmem:s30+$0xA080] =	vst v4;
	v0 =	vor.u32 $0x380, v0;
	v6 =	vld.idx.msk [tilespmem:v6+s16+$0x0], $0xffff  }
0xbd: {  	s22 =	sor.u32 $0x280, s13;
	v1 =	vld.idx.msk [tilespmem:v1+s16+$0x0], $0xffff;
	[tilespmem:s3+$0xA080] =	vst v3  }
0xbe: {  	s21 =	sor.u32 $0x280, s7;
	v2 =	vld.idx.msk [tilespmem:v2+s16+$0x0], $0xffff;
	[tilespmem:s22+$0xA080] =	vst v8  }
0xbf: {  	s23 =	sor.u32 $0x300, s5;
	v4 =	vld.idx.msk [tilespmem:v19+s16+$0x0], $0xffff;
	[tilespmem:s21+$0xA080] =	vst v9  }
0xc0: {  	s1 =	sor.u32 $0x300, s1;
	v7 =	vld.idx.msk [tilespmem:v20+s16+$0x0], $0xffff;
	[tilespmem:s23+$0xA080] =	vst v5  }
0xc1: {  	v0 =	vld.idx.msk [tilespmem:v0+s16+$0x0], $0xffff;
	[tilespmem:s1+$0xA080] =	vst v6  }
0xc2: {  	[tilespmem:s4+$0xA080] =	vst v1;
	v3 =	vld.idx.msk [tilespmem:v15+s16+$0x0], $0xffff  }
0xc3: {  	s25 =	sor.u32 $0x300, s13;
	[tilespmem:s19+$0xA080] =	vst v2  }
0xc4: {  	s24 =	sor.u32 $0x300, s7;
	[tilespmem:s25+$0xA080] =	vst v4  }
0xc5: {  	s26 =	sor.u32 $0x380, s5;
	v1 =	vld.idx.msk [tilespmem:v13+s16+$0x0], $0xffff;
	[tilespmem:s24+$0xA080] =	vst v7  }
0xc6: {  	v4 =	vld.idx.msk [tilespmem:v14+s16+$0x0], $0xffff;
	[tilespmem:s26+$0xA080] =	vst v0  }
0xc7: {  	[tilespmem:s2+$0xA080] =	vst v3  }
0xc8: {  	s1 =	rddreg [dreg:$0x9]  }
0xc9: {  	s31 =	sor.u32 $0x380, s13;
	s15 =	rddreg [dreg:$0x15]  }
0xca: {  	s29 =	sor.u32 $0x380, s7;
	[tilespmem:s31+$0xA080] =	vst v1;
	s1 =	sadd.s32 s1, s15  }
0xcb: {  	s5 =	simm.s32 $0x0;
	s4 =	rddreg [dreg:$0x3];
	[tilespmem:s29+$0xA080] =	vst v4;
	s3 =	sshll.u32 s1, $0xA  }
0xcc: {  	s6 =	simm.s32 $0xA080;
	s0 =	sadd.s32 s4, s3;
	s7 =	rddreg [dreg:$0x14]  }
0xcd: {  	[hbm4b:s0+s5] =	stream.linear.scatter [tilespmem:s6], [sflag:$0x5], $0x2000, $0x38;
	[tilespmem:$0x12080] =	vst v63  }
0xce: {  	p1 =	seq.s32 s7, $0x1F;
	s0 =	rddreg [dreg:$0xd]  }
0xcf: {  	s0 =	sadd.s32 @!p1 s15, s0  }
0xd0: {  	s0 =	sshll.u32 @!p1 s0, $0xA  }
0xd1: {  	s8 =	simm.s32 $0x2;
	s1 =	rddreg [dreg:$0x0];
	s0 =	sand.u32 @!p1 $0x1FFFF000, s0  }
0xd2: {  	s2 =	simm.s32 @!p1 $0x2080;
	s0 =	sadd.s32 @!p1 s1, s0;
	s1 =	simm.s32 @!p1 $0x0  }
0xd3: {  	[tilespmem:s2], [sflag:$0x1] =	stream.linear.gather @!p1 [hbm4b:s0+s1], $0x2000, $0x38;
	[tilespmem:$0x12080] =	vst v63  }
0xd4: {  	_ =	swait.ge [sflag:s8], $0x2000  }
0xd5: {  	[sflag:s8] =	ssyncset.done $0x0  }
0xd6: {  	s1 =	simm.s32 @!p0 $0x6;
	[sflag:s8] =	ssyncadd.s32 $0xFFFFE000  }
0xd7: {  	s0 =	simm.s32 $0x0;
	_ =	swait.ge @!p0 [sflag:s1], $0x2000  }
0xd8: {  	s9 =	sand.u32 $0x40, s0;
	s10 =	sand.u32 $0x1C00, s0;
	s11 =	rddreg [dreg:$0x5]  }
0xd9: {  	s14 =	sor.u32 $0x30, s9;
	[sflag:s1] =	ssyncset.done @!p0 $0x0;
	s13 =	sadd.s32 s10, s11  }
0xda: {  	[sflag:s1] =	ssyncadd.s32 @!p0 $0xFFFFE000;
	s16 =	sadd.s32 s14, s13  }
0xdb: {  	v0 =	vld [tilespmem:s16+$0x0];
	_ =	sdelay $0x2  }
0xdc: {  	s17 =	sor.u32 $0x10, s9;
	s18 =	sadd.s32 s9, s13  }
0xdd: {  	s19 =	sadd.s32 s17, s13;
	v1 =	vld [tilespmem:s18+$0x0]  }
0xde: {  	s20 =	sor.u32 $0x20, s9;
	v2 =	vld [tilespmem:s19+$0x0];
	v3 =	vshll.u32 v0, $0x3  }
0xdf: {  	s4 =	sadd.s32 s20, s13;
	v0 =	vand.u32 $0x7F, v0;
	v3 =	vand.u32 $0xFFFFFC00, v3  }
0xe0: {  	v3 =	vor.u32 v0, v3;
	v0 =	vld [tilespmem:s4+$0x0];
	_ =	sdelay $0x1  }
0xe1: {  	v4 =	vshll.u32 v1, $0x3  }
0xe2: {  	v5 =	vshll.u32 v2, $0x3;
	v1 =	vand.u32 $0x7F, v1;
	v4 =	vand.u32 $0xFFFFFC00, v4  }
0xe3: {  	s23 =	simm.s32 $0x4080;
	v6 =	vand.u32 $0x7F, v2;
	v5 =	vand.u32 $0xFFFFFC00, v5;
	v2 =	vor.u32 v1, v4  }
0xe4: {  	v1 =	vor.u32 v6, v5;
	v4 =	vld.idx.msk [tilespmem:v3+s23+$0x0], $0xffff;
	v5 =	vshll.u32 v0, $0x3  }
0xe5: {  	v7 =	vor.u32 $0x80, v3;
	v0 =	vand.u32 $0x7F, v0;
	v5 =	vand.u32 $0xFFFFFC00, v5  }
0xe6: {  	v6 =	vor.u32 v0, v5  }
0xe7: {  	s21 =	sor.u32 $0xC080, s10  }
0xe8: {  	s5 =	sor.u32 s14, s21;
	v0 =	vld.idx.msk [tilespmem:v2+s23+$0x0], $0xffff  }
0xe9: {  	v8 =	vld.idx.msk [tilespmem:v1+s23+$0x0], $0xffff;
	v5 =	vor.u32 $0x80, v2;
	[tilespmem:s5+$0x0] =	vst v4  }
0xea: {  	v4 =	vor.u32 $0x80, v1;
	v7 =	vld.idx.msk [tilespmem:v7+s23+$0x0], $0xffff  }
0xeb: {  	v9 =	vor.u32 $0x100, v3;
	v10 =	vld.idx.msk [tilespmem:v6+s23+$0x0], $0xffff  }
0xec: {  	s3 =	sor.u32 s9, s21;
	v11 =	vor.u32 $0x80, v6  }
0xed: {  	s22 =	sor.u32 s17, s21;
	[tilespmem:s3+$0x0] =	vst v0  }
0xee: {  	[tilespmem:s22+$0x0] =	vst v8;
	v0 =	vld.idx.msk [tilespmem:v5+s23+$0x0], $0xffff  }
0xef: {  	s7 =	simm.s32 $0x200;
	s24 =	sor.u32 s20, s21;
	s1 =	simm.s32 $0x40;
	v5 =	vor.u32 $0x100, v2;
	v4 =	vld.idx.msk [tilespmem:v4+s23+$0x0], $0xffff;
	[tilespmem:s5+$0x80] =	vst v7  }
0xf0: {  	s12 =	sand.u32 $0x1C00, s7;
	s25 =	sand.u32 $0x40, s1;
	v7 =	vor.u32 $0x100, v1;
	v8 =	vld.idx.msk [tilespmem:v9+s23+$0x0], $0xffff;
	[tilespmem:s24+$0x0] =	vst v10  }
0xf1: {  	s26 =	sadd.s32 s12, s11;
	s29 =	sor.u32 $0x10, s25;
	v10 =	vld.idx.msk [tilespmem:v11+s23+$0x0], $0xffff  }
0xf2: {  	s16 =	sadd.s32 s29, s26;
	v9 =	vor.u32 $0x180, v3  }
0xf3: {  	v13 =	vld [tilespmem:s16+$0x0];
	[tilespmem:s3+$0x80] =	vst v0  }
0xf4: {  	s11 =	sor.u32 $0x30, s25;
	v11 =	vor.u32 $0x100, v6;
	v0 =	vld.idx.msk [tilespmem:v5+s23+$0x0], $0xffff;
	[tilespmem:s22+$0x80] =	vst v4  }
0xf5: {  	s9 =	sadd.s32 s11, s26;
	v4 =	vld.idx.msk [tilespmem:v7+s23+$0x0], $0xffff;
	[tilespmem:s5+$0x100] =	vst v8  }
0xf6: {  	s10 =	sor.u32 $0x20, s25;
	v8 =	vld [tilespmem:s9+$0x0];
	[tilespmem:s24+$0x80] =	vst v10;
	v10 =	vor.u32 $0x180, v2  }
0xf7: {  	s6 =	sadd.s32 s10, s26;
	v12 =	vor.u32 $0x180, v1;
	v5 =	vld.idx.msk [tilespmem:v9+s23+$0x0], $0xffff  }
0xf8: {  	v14 =	vld [tilespmem:s6+$0x0];
	v7 =	vor.u32 $0x200, v3  }
0xf9: {  	s14 =	sadd.s32 s25, s26;
	v9 =	vld.idx.msk [tilespmem:v11+s23+$0x0], $0xffff  }
0xfa: {  	v11 =	vld [tilespmem:s14+$0x0];
	[tilespmem:s3+$0x100] =	vst v0  }
0xfb: {  	[tilespmem:s22+$0x100] =	vst v4;
	v15 =	vshll.u32 v8, $0x3;
	v4 =	vld.idx.msk [tilespmem:v10+s23+$0x0], $0xffff  }
0xfc: {  	p2 =	por $0x0, $0x0;
	v0 =	vand.u32 $0x7F, v8;
	[tilespmem:s5+$0x180] =	vst v5;
	s5 =	simm.s32 $0x1;
	v5 =	vor.u32 $0x180, v6;
	v8 =	vand.u32 $0xFFFFFC00, v15;
	v10 =	vld.idx.msk [tilespmem:v12+s23+$0x0], $0xffff  }
0xfd: {  	v7 =	vld.idx.msk [tilespmem:v7+s23+$0x0], $0xffff;
	s5 =	simm.s32 @!p2 $0x0;
	v0 =	vor.u32 v0, v8  }
0xfe: {  	v17 =	vshll.u32 v13, $0x3;
	v8 =	vor.u32 $0x200, v1;
	s5 =	sshll.u32 s5, $0x6  }
0xff: {  	v13 =	vand.u32 $0x7F, v13;
	v15 =	vor.u32 $0x280, v3;
	v12 =	vshll.u32 v11, $0x3;
	[tilespmem:s24+$0x100] =	vst v9;
	s5 =	sadd.s32 $0x0, s5  }
0x100: {  	v16 =	vor.u32 $0x200, v2;
	v11 =	vand.u32 $0x7F, v11;
	v9 =	vand.u32 $0xFFFFFC00, v12;
	s17 =	sadd.s32 $0x30, s5;
	[tilespmem:s3+$0x180] =	vst v4  }
0x101: {  	v12 =	vand.u32 $0xFFFFFC00, v17;
	v17 =	vshll.u32 v14, $0x3;
	v23 =	vor.u32 v11, v9;
	s31 =	sor.u32 $0x200, s17;
	v5 =	vld.idx.msk [tilespmem:v5+s23+$0x0], $0xffff;
	[tilespmem:s22+$0x180] =	vst v10  }
0x102: {  	v13 =	vor.u32 v13, v12;
	v9 =	vand.u32 $0x7F, v14;
	[tilespmem:s31+$0xC080] =	vst v7;
	v7 =	vand.u32 $0xFFFFFC00, v17;
	v4 =	vld.idx.msk [tilespmem:v0+s23+$0x0], $0xffff  }
0x103: {  	v8 =	vld.idx.msk [tilespmem:v8+s23+$0x0], $0xffff;
	v27 =	vor.u32 v9, v7  }
0x104: {  	v10 =	vor.u32 $0x80, v0;
	v11 =	vld.idx.msk [tilespmem:v15+s23+$0x0], $0xffff  }
0x105: {  	v12 =	vor.u32 $0x200, v6;
	v7 =	vld.idx.msk [tilespmem:v16+s23+$0x0], $0xffff  }
0x106: {  	s12 =	sor.u32 $0xC080, s12;
	v9 =	vor.u32 $0x300, v3;
	v14 =	vld.idx.msk [tilespmem:v23+s23+$0x0], $0xffff  }
0x107: {  	s14 =	sor.u32 s11, s12;
	[tilespmem:s24+$0x180] =	vst v5;
	v5 =	vld.idx.msk [tilespmem:v13+s23+$0x0], $0xffff  }
0x108: {  	s13 =	sor.u32 $0x280, s17;
	v15 =	vor.u32 $0x280, v2;
	[tilespmem:s14+$0x0] =	vst v4;
	v17 =	vld.idx.msk [tilespmem:v27+s23+$0x0], $0xffff  }
0x109: {  	s16 =	sadd.s32 $0x10, s5;
	s18 =	sor.u32 $0x200, s5;
	v16 =	vor.u32 $0x80, v23;
	[tilespmem:s13+$0xC080] =	vst v11;
	v10 =	vld.idx.msk [tilespmem:v10+s23+$0x0], $0xffff  }
0x10a: {  	s19 =	sor.u32 $0x200, s16;
	v11 =	vor.u32 $0x80, v13;
	[tilespmem:s18+$0xC080] =	vst v7;
	v7 =	vld.idx.msk [tilespmem:v12+s23+$0x0], $0xffff  }
0x10b: {  	s28 =	sor.u32 s25, s12;
	[tilespmem:s19+$0xC080] =	vst v8;
	v4 =	vld.idx.msk [tilespmem:v9+s23+$0x0], $0xffff;
	v9 =	vor.u32 $0x80, v27  }
0x10c: {  	s9 =	sor.u32 s29, s12;
	v8 =	vor.u32 $0x100, v0;
	[tilespmem:s28+$0x0] =	vst v14  }
0x10d: {  	s25 =	sor.u32 s10, s12;
	v12 =	vld.idx.msk [tilespmem:v15+s23+$0x0], $0xffff;
	v14 =	vor.u32 $0x280, v1;
	[tilespmem:s9+$0x0] =	vst v5  }
0x10e: {  	s21 =	sadd.s32 $0x20, s5;
	v3 =	vor.u32 $0x380, v3;
	v15 =	vld.idx.msk [tilespmem:v16+s23+$0x0], $0xffff;
	[tilespmem:s25+$0x0] =	vst v17  }
0x10f: {  	v19 =	vor.u32 $0x280, v6;
	s22 =	sor.u32 $0x200, s21;
	v20 =	vld.idx.msk [tilespmem:v11+s23+$0x0], $0xffff;
	[tilespmem:s14+$0x80] =	vst v10  }
0x110: {  	v28 =	vor.u32 $0x300, v2;
	s20 =	sor.u32 $0x300, s17;
	[tilespmem:s22+$0xC080] =	vst v7;
	v26 =	vld.idx.msk [tilespmem:v9+s23+$0x0], $0xffff  }
0x111: {  	v24 =	vor.u32 $0x100, v23;
	v29 =	vor.u32 $0x100, v13;
	v18 =	vor.u32 $0x180, v13;
	s24 =	sor.u32 $0x280, s5;
	[tilespmem:s20+$0xC080] =	vst v4;
	v32 =	vld.idx.msk [tilespmem:v8+s23+$0x0], $0xffff  }
0x112: {  	s26 =	sor.u32 $0x1, s15;
	v31 =	vor.u32 $0x100, v27;
	v16 =	vor.u32 $0x180, v27;
	v5 =	vor.u32 $0x300, v1;
	[tilespmem:s24+$0xC080] =	vst v12;
	v21 =	vld.idx.msk [tilespmem:v14+s23+$0x0], $0xffff  }
0x113: {  	v1 =	vor.u32 $0x380, v1;
	v17 =	vor.u32 $0x180, v23;
	v7 =	vor.u32 $0x280, v23;
	v30 =	vld.idx.msk [tilespmem:v3+s23+$0x0], $0xffff;
	[dreg:$0x16] =	wrdreg s26  }
0x114: {  	s30 =	simm.s32 $0x4;
	s0 =	sor.u32 s0, s0;
	s29 =	sor.u32 s7, s1;
	v4 =	vor.u32 $0x300, v6;
	v12 =	vor.u32 $0x200, v23;
	v3 =	vor.u32 $0x380, v2;
	[tilespmem:s28+$0x80] =	vst v15;
	v22 =	vld.idx.msk [tilespmem:v19+s23+$0x0], $0xffff  }
0x115: {  	s4 =	sor.u32 $0x380, s0;
	s12 =	simm.s32 $0x400;
	s3 =	sor.u32 $0x380, s29;
	v2 =	vor.u32 $0x380, v6;
	v6 =	vor.u32 $0x300, v23;
	v15 =	vor.u32 $0x380, v23;
	v23 =	vld.idx.msk [tilespmem:v28+s23+$0x0], $0xffff;
	[tilespmem:s9+$0x80] =	vst v20  }
0x116: {  	s15 =	sor.u32 $0x300, s16;
	s0 =	sor.u32 $0x300, s21;
	s31 =	sor.u32 $0x380, s17;
	v11 =	vor.u32 $0x200, v13;
	v10 =	vor.u32 $0x200, v27;
	v9 =	vor.u32 $0x280, v13;
	v25 =	vld.idx.msk [tilespmem:v24+s23+$0x0], $0xffff;
	[tilespmem:s25+$0x80] =	vst v26  }
0x117: {  	s17 =	sor.u32 $0x300, s5;
	s19 =	sor.u32 $0x380, s16;
	s18 =	sor.u32 $0x380, s21;
	v8 =	vor.u32 $0x280, v27;
	v14 =	vor.u32 $0x380, v13;
	v19 =	vor.u32 $0x300, v27;
	v24 =	vld.idx.msk [tilespmem:v29+s23+$0x0], $0xffff;
	[tilespmem:s14+$0x100] =	vst v32  }
0x118: {  	s13 =	simm.s32 $0x80;
	s24 =	sor.u32 $0x280, s21;
	s26 =	sor.u32 $0x280, s16;
	v20 =	vor.u32 $0x300, v13;
	v13 =	vor.u32 $0x380, v27;
	v27 =	vor.u32 $0x180, v0;
	v26 =	vld.idx.msk [tilespmem:v31+s23+$0x0], $0xffff;
	[tilespmem:s31+$0xC080] =	vst v30  }
.LBB2_5:
0x119: {  	_ =	sdelay $0x3  }
0x11a: {  	s29 =	sand.u32 $0x40, s13;
	s6 =	sand.u32 $0x1C00, s12;
	v27 =	vld.idx.msk [tilespmem:v27+s23+$0x0], $0xffff;
	s1 =	rddreg [dreg:$0x5];
	[tilespmem:s26+$0xC080] =	vst v21  }
0x11b: {  	s2 =	sadd.s32 s6, s1;
	s31 =	sor.u32 $0x30, s29;
	[tilespmem:s24+$0xC080] =	vst v22;
	v21 =	vld.idx.msk [tilespmem:v5+s23+$0x0], $0xffff  }
0x11c: {  	s5 =	sadd.s32 s31, s2;
	v22 =	vld.idx.msk [tilespmem:v4+s23+$0x0], $0xffff  }
0x11d: {  	s8 =	sor.u32 $0x10, s29;
	s10 =	sadd.s32 s29, s2;
	[tilespmem:s28+$0x100] =	vst v25;
	v4 =	vmov v19;
	v19 =	vld [tilespmem:s5+$0x0]  }
0x11e: {  	s1 =	sor.u32 $0x20, s29;
	s11 =	sadd.s32 s8, s2;
	v5 =	vmov v20;
	v20 =	vor.u32 $0x200, v0;
	[tilespmem:s9+$0x100] =	vst v24;
	v24 =	vld [tilespmem:s10+$0x0]  }
0x11f: {  	s16 =	sadd.s32 s1, s2;
	[tilespmem:s25+$0x100] =	vst v26;
	v25 =	vld [tilespmem:s11+$0x0]  }
0x120: {  	[tilespmem:s17+$0xC080] =	vst v23;
	v23 =	vld [tilespmem:s16+$0x0]  }
0x121: {  	[tilespmem:s14+$0x180] =	vst v27;
	v17 =	vld.idx.msk [tilespmem:v17+s23+$0x0], $0xffff  }
0x122: {  	v28 =	vld.idx.msk [tilespmem:v3+s23+$0x0], $0xffff;
	[tilespmem:s15+$0xC080] =	vst v21;
	v21 =	vshll.u32 v19, $0x3  }
0x123: {  	p2 =	por !p2, !p2;
	s5 =	simm.s32 $0x1;
	v20 =	vld.idx.msk [tilespmem:v20+s23+$0x0], $0xffff;
	[tilespmem:s0+$0xC080] =	vst v22;
	v19 =	vand.u32 $0x7F, v19;
	v22 =	vor.u32 $0x280, v0;
	v21 =	vand.u32 $0xFFFFFC00, v21  }
0x124: {  	s5 =	simm.s32 @!p2 $0x0;
	v18 =	vld.idx.msk [tilespmem:v18+s23+$0x0], $0xffff;
	v26 =	vshll.u32 v24, $0x3;
	v27 =	vshll.u32 v25, $0x3;
	v21 =	vor.u32 v19, v21  }
0x125: {  	s16 =	sshll.u32 s5, $0x6;
	v16 =	vld.idx.msk [tilespmem:v16+s23+$0x0], $0xffff;
	v19 =	vand.u32 $0xFFFFFC00, v26;
	v26 =	vand.u32 $0xFFFFFC00, v27;
	v27 =	vshll.u32 v23, $0x3  }
0x126: {  	v3 =	vmovc v15;
	s14 =	sadd.s32 s16, s7;
	v15 =	vand.u32 $0x7F, v24;
	v24 =	vand.u32 $0x7F, v25;
	v25 =	vand.u32 $0xFFFFFC00, v27;
	v27 =	vld.idx.msk [tilespmem:v1+s23+$0x0], $0xffff  }
0x127: {  	s5 =	sadd.s32 $0x30, s14;
	[tilespmem:s28+$0x180] =	vst v17;
	v1 =	vmov v14;
	v14 =	vor.u32 v15, v19;
	v19 =	vld.idx.msk [tilespmem:v2+s23+$0x0], $0xffff  }
0x128: {  	s10 =	sor.u32 s12, s13;
	s17 =	sor.u32 $0x200, s5;
	v33 =	vld.idx.msk [tilespmem:v12+s23+$0x0], $0xffff;
	[tilespmem:s4+$0xC080] =	vst v28  }
0x129: {  	s2 =	sor.u32 $0x380, s10;
	v24 =	vor.u32 v24, v26;
	v15 =	vand.u32 $0x7F, v23;
	[tilespmem:s17+$0xC080] =	vst v20  }
0x12a: {  	s21 =	sadd.s32 $0x10, s14;
	s22 =	sadd.s32 $0x20, s14;
	s20 =	sor.u32 $0x200, s14;
	v25 =	vor.u32 v15, v25;
	v15 =	vld.idx.msk [tilespmem:v22+s23+$0x0], $0xffff;
	[tilespmem:s9+$0x180] =	vst v18  }
0x12b: {  	v34 =	vor.u32 $0x300, v0;
	s16 =	sor.u32 $0x280, s14;
	s11 =	sor.u32 $0x200, s21;
	s10 =	sor.u32 $0x200, s22;
	v35 =	vor.u32 $0x80, v21;
	[tilespmem:s25+$0x180] =	vst v16;
	v31 =	vld.idx.msk [tilespmem:v21+s23+$0x0], $0xffff  }
0x12c: {  	s26 =	sor.u32 $0x280, s21;
	s24 =	sor.u32 $0x280, s22;
	s15 =	sor.u32 $0x300, s21;
	v23 =	vor.u32 $0x80, v14;
	v26 =	vor.u32 $0x80, v24;
	v29 =	vor.u32 $0x100, v14;
	v36 =	vld.idx.msk [tilespmem:v11+s23+$0x0], $0xffff;
	[tilespmem:s19+$0xC080] =	vst v27  }
0x12d: {  	s0 =	sor.u32 $0x300, s22;
	v30 =	vor.u32 $0x100, v24;
	v17 =	vor.u32 $0x180, v14;
	v12 =	vor.u32 $0x200, v14;
	s17 =	sor.u32 $0x300, s14;
	s14 =	sor.u32 $0x380, s21;
	v28 =	vld.idx.msk [tilespmem:v14+s23+$0x0], $0xffff;
	[tilespmem:s18+$0xC080] =	vst v19  }
0x12e: {  	v39 =	vor.u32 $0x280, v24;
	v41 =	vor.u32 $0x300, v14;
	s21 =	sor.u32 $0x380, s22;
	v32 =	vor.u32 $0x100, v25;
	s22 =	sor.u32 $0xC080, s6;
	s25 =	sor.u32 $0x280, s5;
	[tilespmem:s20+$0xC080] =	vst v33;
	v38 =	vld.idx.msk [tilespmem:v24+s23+$0x0], $0xffff  }
0x12f: {  	v37 =	vor.u32 $0x200, v25;
	v40 =	vor.u32 $0x280, v25;
	v20 =	vor.u32 $0x300, v24;
	s19 =	smov.u32 s14;
	s14 =	sor.u32 s31, s22;
	v42 =	vld.idx.msk [tilespmem:v25+s23+$0x0], $0xffff;
	[tilespmem:s25+$0xC080] =	vst v15  }
0x130: {  	v22 =	vor.u32 $0x80, v25;
	v18 =	vor.u32 $0x180, v24;
	v11 =	vor.u32 $0x200, v24;
	v60 =	vld.idx.msk [tilespmem:v10+s23+$0x0], $0xffff;
	[tilespmem:s14+$0x0] =	vst v31  }
0x131: {  	s28 =	sor.u32 s29, s22;
	v27 =	vor.u32 $0x280, v14;
	v15 =	vor.u32 $0x380, v14;
	v14 =	vor.u32 $0x380, v24;
	[tilespmem:s11+$0xC080] =	vst v36;
	v24 =	vld.idx.msk [tilespmem:v34+s23+$0x0], $0xffff  }
0x132: {  	v2 =	vmovc v13;
	v13 =	vor.u32 $0x380, v25;
	v16 =	vor.u32 $0x180, v25;
	s9 =	sor.u32 s8, s22;
	v19 =	vor.u32 $0x300, v25;
	v25 =	vld.idx.msk [tilespmem:v35+s23+$0x0], $0xffff;
	[tilespmem:s28+$0x0] =	vst v28  }
0x133: {  	v61 =	vor.u32 $0x380, v0;
	v0 =	vmov v21;
	s25 =	sor.u32 s1, s22;
	v28 =	vld.idx.msk [tilespmem:v7+s23+$0x0], $0xffff;
	[tilespmem:s9+$0x0] =	vst v38  }
0x134: {  	v21 =	vor.u32 $0x100, v0;
	v23 =	vld.idx.msk [tilespmem:v23+s23+$0x0], $0xffff;
	[tilespmem:s25+$0x0] =	vst v42  }
0x135: {  	s29 =	sor.u32 $0x300, s5;
	v62 =	vld.idx.msk [tilespmem:v22+s23+$0x0], $0xffff;
	[tilespmem:s10+$0xC080] =	vst v60  }
0x136: {  	v26 =	vld.idx.msk [tilespmem:v26+s23+$0x0], $0xffff;
	[tilespmem:s29+$0xC080] =	vst v24  }
0x137: {  	v22 =	vld.idx.msk [tilespmem:v8+s23+$0x0], $0xffff;
	[tilespmem:s14+$0x80] =	vst v25  }
0x138: {  	s30 =	sadd.s32 $0x4, s30;
	v33 =	vld.idx.msk [tilespmem:v61+s23+$0x0], $0xffff  }
0x139: {  	p3 =	slt.u32 s30, $0x3C;
	[tilespmem:s16+$0xC080] =	vst v28;
	v63 =	vld.idx.msk [tilespmem:v21+s23+$0x0], $0xffff  }
.Ltmp3:
0x13a: {  	v21 =	vld.idx.msk [tilespmem:v9+s23+$0x0], $0xffff;
	[tilespmem:s28+$0x80] =	vst v23;
	(pc) =	sbr.rel @p3 .LBB2_5-.Ltmp3, $4  }
0x13b: {  	[tilespmem:s9+$0x80] =	vst v26;
	v25 =	vld.idx.msk [tilespmem:v29+s23+$0x0], $0xffff  }
0x13c: {  	s31 =	sor.u32 $0x380, s5;
	[tilespmem:s25+$0x80] =	vst v62;
	v24 =	vld.idx.msk [tilespmem:v30+s23+$0x0], $0xffff  }
0x13d: {  	s13 =	sadd.s32 $0x40, s13;
	s7 =	smov.u32 s12;
	s12 =	sadd.s32 $0x200, s12;
	v10 =	vmov v37;
	v26 =	vld.idx.msk [tilespmem:v32+s23+$0x0], $0xffff;
	[tilespmem:s31+$0xC080] =	vst v33  }
0x13e: {  	s4 =	smov.u32 s3;
	s3 =	smov.u32 s2;
	s18 =	smov.u32 s21;
	v7 =	vmovc v27;
	v27 =	vor.u32 $0x180, v0;
	v8 =	vmovc v40;
	v9 =	vmov v39;
	v23 =	vld.idx.msk [tilespmem:v6+s23+$0x0], $0xffff;
	v6 =	vmov v41;
	[tilespmem:s14+$0x100] =	vst v63  }
0x13f: {  	_ =	sdelay $0x3  }
0x140: {  	v27 =	vld.idx.msk [tilespmem:v27+s23+$0x0], $0xffff  }
0x141: {  	[tilespmem:s28+$0x100] =	vst v25;
	v25 =	vor.u32 $0x200, v0  }
0x142: {  	v17 =	vld.idx.msk [tilespmem:v17+s23+$0x0], $0xffff  }
0x143: {  	[tilespmem:s9+$0x100] =	vst v24  }
0x144: {  	[tilespmem:s25+$0x100] =	vst v26;
	v18 =	vld.idx.msk [tilespmem:v18+s23+$0x0], $0xffff  }
0x145: {  	p2 =	por !p2, !p2;
	s1 =	simm.s32 $0x1;
	v16 =	vld.idx.msk [tilespmem:v16+s23+$0x0], $0xffff;
	[tilespmem:s14+$0x180] =	vst v27  }
0x146: {  	[tilespmem:s26+$0xC080] =	vst v21;
	s1 =	simm.s32 @!p2 $0x0;
	v24 =	vld.idx.msk [tilespmem:v25+s23+$0x0], $0xffff  }
0x147: {  	s1 =	sshll.u32 s1, $0x6;
	[tilespmem:s28+$0x180] =	vst v17;
	v17 =	vor.u32 $0x280, v0  }
0x148: {  	[tilespmem:s24+$0xC080] =	vst v22;
	s1 =	sadd.s32 s1, s7;
	v12 =	vld.idx.msk [tilespmem:v12+s23+$0x0], $0xffff  }
0x149: {  	v5 =	vld.idx.msk [tilespmem:v5+s23+$0x0], $0xffff;
	s2 =	sadd.s32 $0x30, s1;
	[tilespmem:s9+$0x180] =	vst v18  }
0x14a: {  	s5 =	sor.u32 $0x200, s2;
	[tilespmem:s25+$0x180] =	vst v16;
	v11 =	vld.idx.msk [tilespmem:v11+s23+$0x0], $0xffff  }
0x14b: {  	v10 =	vld.idx.msk [tilespmem:v10+s23+$0x0], $0xffff;
	[tilespmem:s5+$0xC080] =	vst v24  }
0x14c: {  	s7 =	sor.u32 $0x200, s1;
	[tilespmem:s17+$0xC080] =	vst v23;
	v16 =	vld.idx.msk [tilespmem:v17+s23+$0x0], $0xffff  }
0x14d: {  	v4 =	vld.idx.msk [tilespmem:v4+s23+$0x0], $0xffff;
	s6 =	sadd.s32 $0x10, s1;
	[tilespmem:s7+$0xC080] =	vst v12;
	v12 =	vor.u32 $0x300, v0  }
0x14e: {  	s8 =	sor.u32 $0x200, s6;
	v3 =	vld.idx.msk [tilespmem:v3+s23+$0x0], $0xffff;
	[tilespmem:s15+$0xC080] =	vst v5;
	s9 =	sadd.s32 $0x20, s1  }
0x14f: {  	s10 =	sor.u32 $0x200, s9;
	[tilespmem:s8+$0xC080] =	vst v11;
	v7 =	vld.idx.msk [tilespmem:v7+s23+$0x0], $0xffff  }
0x150: {  	s11 =	sor.u32 $0x280, s2;
	[tilespmem:s10+$0xC080] =	vst v10;
	v9 =	vld.idx.msk [tilespmem:v9+s23+$0x0], $0xffff  }
0x151: {  	v8 =	vld.idx.msk [tilespmem:v8+s23+$0x0], $0xffff;
	[tilespmem:s11+$0xC080] =	vst v16  }
0x152: {  	[tilespmem:s0+$0xC080] =	vst v4;
	v5 =	vld.idx.msk [tilespmem:v12+s23+$0x0], $0xffff  }
0x153: {  	s12 =	sor.u32 $0x280, s1;
	v1 =	vld.idx.msk [tilespmem:v1+s23+$0x0], $0xffff;
	[tilespmem:s4+$0xC080] =	vst v3;
	v0 =	vor.u32 $0x380, v0  }
0x154: {  	s13 =	sor.u32 $0x280, s6;
	v2 =	vld.idx.msk [tilespmem:v2+s23+$0x0], $0xffff;
	[tilespmem:s12+$0xC080] =	vst v7  }
0x155: {  	s14 =	sor.u32 $0x280, s9;
	v6 =	vld.idx.msk [tilespmem:v6+s23+$0x0], $0xffff;
	[tilespmem:s13+$0xC080] =	vst v9  }
0x156: {  	s15 =	sor.u32 $0x300, s2;
	v7 =	vld.idx.msk [tilespmem:v20+s23+$0x0], $0xffff;
	[tilespmem:s14+$0xC080] =	vst v8  }
0x157: {  	v4 =	vld.idx.msk [tilespmem:v19+s23+$0x0], $0xffff;
	[tilespmem:s15+$0xC080] =	vst v5  }
0x158: {  	[tilespmem:s19+$0xC080] =	vst v1;
	v0 =	vld.idx.msk [tilespmem:v0+s23+$0x0], $0xffff  }
0x159: {  	s1 =	sor.u32 $0x300, s1;
	[tilespmem:s18+$0xC080] =	vst v2  }
0x15a: {  	s16 =	sor.u32 $0x300, s6;
	[tilespmem:s1+$0xC080] =	vst v6  }
0x15b: {  	s17 =	sor.u32 $0x300, s9;
	[tilespmem:s16+$0xC080] =	vst v7;
	v3 =	vld.idx.msk [tilespmem:v15+s23+$0x0], $0xffff  }
0x15c: {  	s18 =	sor.u32 $0x380, s2;
	[tilespmem:s17+$0xC080] =	vst v4;
	v4 =	vld.idx.msk [tilespmem:v14+s23+$0x0], $0xffff  }
0x15d: {  	v1 =	vld.idx.msk [tilespmem:v13+s23+$0x0], $0xffff;
	[tilespmem:s18+$0xC080] =	vst v0  }
0x15e: {  	s0 =	rddreg [dreg:$0x9]  }
0x15f: {  	s1 =	rddreg [dreg:$0x16]  }
0x160: {  	s19 =	sor.u32 $0x380, s6;
	s0 =	sadd.s32 s0, s1;
	[tilespmem:s3+$0xC080] =	vst v3  }
0x161: {  	s20 =	sor.u32 $0x380, s9;
	s0 =	sshll.u32 s0, $0xA;
	[tilespmem:s19+$0xC080] =	vst v4  }
0x162: {  	s21 =	rddreg [dreg:$0x3];
	s22 =	simm.s32 $0x0;
	s0 =	sand.u32 $0x1FFFF400, s0;
	[tilespmem:s20+$0xC080] =	vst v1  }
0x163: {  	s24 =	simm.s32 $0xC080;
	s0 =	sadd.s32 s21, s0;
	s15 =	rddreg [dreg:$0x15]  }
0x164: {  	[hbm4b:s0+s22] =	stream.linear.scatter [tilespmem:s24], [sflag:$0x6], $0x2000, $0x38;
	[tilespmem:$0x12080] =	vst v63  }
0x165: {  	s0 =	rddreg [dreg:$0xe]  }
0x166: {  	s0 =	sadd.s32 @!p1 s15, s0  }
0x167: {  	s0 =	sshll.u32 @!p1 s0, $0xA  }
0x168: {  	s25 =	simm.s32 $0x3;
	s1 =	rddreg [dreg:$0x0];
	s0 =	sand.u32 @!p1 $0x1FFFF400, s0  }
0x169: {  	s2 =	simm.s32 @!p1 $0x4080;
	s0 =	sadd.s32 @!p1 s1, s0;
	s1 =	simm.s32 @!p1 $0x0  }
0x16a: {  	[tilespmem:s2], [sflag:$0x2] =	stream.linear.gather @!p1 [hbm4b:s0+s1], $0x2000, $0x38;
	[tilespmem:$0x12080] =	vst v63  }
0x16b: {  	_ =	swait.ge [sflag:s25], $0x2000  }
0x16c: {  	[sflag:s25] =	ssyncset.done $0x0  }
0x16d: {  	s1 =	simm.s32 @!p0 $0x7;
	[sflag:s25] =	ssyncadd.s32 $0xFFFFE000  }
0x16e: {  	s0 =	simm.s32 $0x0;
	_ =	swait.ge @!p0 [sflag:s1], $0x2000  }
0x16f: {  	s26 =	sand.u32 $0x40, s0;
	s29 =	sand.u32 $0x1C00, s0;
	s31 =	rddreg [dreg:$0x5]  }
0x170: {  	s8 =	sor.u32 $0x30, s26;
	[sflag:s1] =	ssyncset.done @!p0 $0x0;
	s5 =	sadd.s32 s29, s31  }
0x171: {  	[sflag:s1] =	ssyncadd.s32 @!p0 $0xFFFFE000;
	s10 =	sadd.s32 s8, s5  }
0x172: {  	v0 =	vld [tilespmem:s10+$0x0];
	_ =	sdelay $0x2  }
0x173: {  	s11 =	sor.u32 $0x10, s26;
	s12 =	sadd.s32 s26, s5  }
0x174: {  	s13 =	sadd.s32 s11, s5;
	v1 =	vld [tilespmem:s12+$0x0]  }
0x175: {  	s14 =	sor.u32 $0x20, s26;
	v2 =	vld [tilespmem:s13+$0x0];
	v3 =	vshll.u32 v0, $0x3  }
0x176: {  	s4 =	sadd.s32 s14, s5;
	v0 =	vand.u32 $0x7F, v0;
	v3 =	vand.u32 $0xFFFFFC00, v3  }
0x177: {  	v3 =	vor.u32 v0, v3;
	v0 =	vld [tilespmem:s4+$0x0];
	_ =	sdelay $0x1  }
0x178: {  	v4 =	vshll.u32 v1, $0x3  }
0x179: {  	v5 =	vshll.u32 v2, $0x3;
	v1 =	vand.u32 $0x7F, v1;
	v4 =	vand.u32 $0xFFFFFC00, v4  }
0x17a: {  	s16 =	simm.s32 $0x6080;
	v6 =	vand.u32 $0x7F, v2;
	v5 =	vand.u32 $0xFFFFFC00, v5;
	v2 =	vor.u32 v1, v4  }
0x17b: {  	v1 =	vor.u32 v6, v5;
	v4 =	vld.idx.msk [tilespmem:v3+s16+$0x0], $0xffff;
	v5 =	vshll.u32 v0, $0x3  }
0x17c: {  	v7 =	vor.u32 $0x80, v3;
	v0 =	vand.u32 $0x7F, v0;
	v5 =	vand.u32 $0xFFFFFC00, v5  }
0x17d: {  	v6 =	vor.u32 v0, v5  }
0x17e: {  	s17 =	sor.u32 $0xE080, s29  }
0x17f: {  	s5 =	sor.u32 s8, s17;
	v0 =	vld.idx.msk [tilespmem:v2+s16+$0x0], $0xffff  }
0x180: {  	v8 =	vld.idx.msk [tilespmem:v1+s16+$0x0], $0xffff;
	v5 =	vor.u32 $0x80, v2;
	[tilespmem:s5+$0x0] =	vst v4  }
0x181: {  	v4 =	vor.u32 $0x80, v1;
	v7 =	vld.idx.msk [tilespmem:v7+s16+$0x0], $0xffff  }
0x182: {  	v9 =	vor.u32 $0x100, v3;
	v10 =	vld.idx.msk [tilespmem:v6+s16+$0x0], $0xffff  }
0x183: {  	s3 =	sor.u32 s26, s17;
	v11 =	vor.u32 $0x80, v6  }
0x184: {  	s18 =	sor.u32 s11, s17;
	[tilespmem:s3+$0x0] =	vst v0  }
0x185: {  	[tilespmem:s18+$0x0] =	vst v8;
	v0 =	vld.idx.msk [tilespmem:v5+s16+$0x0], $0xffff  }
0x186: {  	s20 =	simm.s32 $0x200;
	s19 =	sor.u32 s14, s17;
	s1 =	simm.s32 $0x40;
	v5 =	vor.u32 $0x100, v2;
	v4 =	vld.idx.msk [tilespmem:v4+s16+$0x0], $0xffff;
	[tilespmem:s5+$0x80] =	vst v7  }
0x187: {  	s21 =	sand.u32 $0x40, s1;
	s12 =	sand.u32 $0x1C00, s20;
	v7 =	vor.u32 $0x100, v1;
	v8 =	vld.idx.msk [tilespmem:v9+s16+$0x0], $0xffff;
	[tilespmem:s19+$0x0] =	vst v10  }
0x188: {  	s24 =	sor.u32 $0x10, s21;
	s22 =	sadd.s32 s12, s31;
	v10 =	vld.idx.msk [tilespmem:v11+s16+$0x0], $0xffff  }
0x189: {  	s25 =	sadd.s32 s24, s22;
	v9 =	vor.u32 $0x180, v3  }
0x18a: {  	v13 =	vld [tilespmem:s25+$0x0];
	[tilespmem:s3+$0x80] =	vst v0  }
0x18b: {  	s11 =	sor.u32 $0x30, s21;
	v11 =	vor.u32 $0x100, v6;
	v0 =	vld.idx.msk [tilespmem:v5+s16+$0x0], $0xffff;
	[tilespmem:s18+$0x80] =	vst v4  }
0x18c: {  	s9 =	sadd.s32 s11, s22;
	v4 =	vld.idx.msk [tilespmem:v7+s16+$0x0], $0xffff;
	[tilespmem:s5+$0x100] =	vst v8  }
0x18d: {  	s10 =	sor.u32 $0x20, s21;
	v8 =	vld [tilespmem:s9+$0x0];
	[tilespmem:s19+$0x80] =	vst v10;
	v10 =	vor.u32 $0x180, v2  }
0x18e: {  	s6 =	sadd.s32 s10, s22;
	v12 =	vor.u32 $0x180, v1;
	v5 =	vld.idx.msk [tilespmem:v9+s16+$0x0], $0xffff  }
0x18f: {  	v14 =	vld [tilespmem:s6+$0x0];
	v7 =	vor.u32 $0x200, v3  }
0x190: {  	s13 =	sadd.s32 s21, s22;
	v9 =	vld.idx.msk [tilespmem:v11+s16+$0x0], $0xffff  }
0x191: {  	v11 =	vld [tilespmem:s13+$0x0];
	[tilespmem:s3+$0x100] =	vst v0  }
0x192: {  	[tilespmem:s18+$0x100] =	vst v4;
	v15 =	vshll.u32 v8, $0x3;
	v4 =	vld.idx.msk [tilespmem:v10+s16+$0x0], $0xffff  }
0x193: {  	p2 =	por $0x0, $0x0;
	v0 =	vand.u32 $0x7F, v8;
	[tilespmem:s5+$0x180] =	vst v5;
	s5 =	simm.s32 $0x1;
	v5 =	vor.u32 $0x180, v6;
	v8 =	vand.u32 $0xFFFFFC00, v15;
	v10 =	vld.idx.msk [tilespmem:v12+s16+$0x0], $0xffff  }
0x194: {  	v7 =	vld.idx.msk [tilespmem:v7+s16+$0x0], $0xffff;
	s5 =	simm.s32 @!p2 $0x0;
	v0 =	vor.u32 v0, v8  }
0x195: {  	v16 =	vor.u32 $0x200, v2;
	v8 =	vor.u32 $0x200, v1;
	s5 =	sshll.u32 s5, $0x6  }
0x196: {  	v17 =	vshll.u32 v13, $0x3;
	v15 =	vor.u32 $0x280, v3;
	v12 =	vshll.u32 v11, $0x3;
	[tilespmem:s19+$0x100] =	vst v9;
	s5 =	sadd.s32 $0x0, s5  }
0x197: {  	v13 =	vand.u32 $0x7F, v13;
	v11 =	vand.u32 $0x7F, v11;
	v9 =	vand.u32 $0xFFFFFC00, v12;
	s6 =	sadd.s32 $0x30, s5;
	[tilespmem:s3+$0x180] =	vst v4  }
0x198: {  	v12 =	vand.u32 $0xFFFFFC00, v17;
	v17 =	vshll.u32 v14, $0x3;
	v23 =	vor.u32 v11, v9;
	s26 =	sor.u32 $0x200, s6;
	v5 =	vld.idx.msk [tilespmem:v5+s16+$0x0], $0xffff;
	[tilespmem:s18+$0x180] =	vst v10  }
0x199: {  	v13 =	vor.u32 v13, v12;
	v9 =	vand.u32 $0x7F, v14;
	[tilespmem:s26+$0xE080] =	vst v7;
	v7 =	vand.u32 $0xFFFFFC00, v17;
	v4 =	vld.idx.msk [tilespmem:v0+s16+$0x0], $0xffff  }
0x19a: {  	v8 =	vld.idx.msk [tilespmem:v8+s16+$0x0], $0xffff;
	v27 =	vor.u32 v9, v7  }
0x19b: {  	v10 =	vor.u32 $0x80, v0;
	v11 =	vld.idx.msk [tilespmem:v15+s16+$0x0], $0xffff  }
0x19c: {  	v12 =	vor.u32 $0x200, v6;
	v7 =	vld.idx.msk [tilespmem:v16+s16+$0x0], $0xffff  }
0x19d: {  	s29 =	sor.u32 $0xE080, s12;
	v9 =	vor.u32 $0x300, v3;
	v14 =	vld.idx.msk [tilespmem:v23+s16+$0x0], $0xffff  }
0x19e: {  	s14 =	sor.u32 s11, s29;
	[tilespmem:s19+$0x180] =	vst v5;
	v5 =	vld.idx.msk [tilespmem:v13+s16+$0x0], $0xffff  }
0x19f: {  	s31 =	sor.u32 $0x280, s6;
	v15 =	vor.u32 $0x280, v2;
	[tilespmem:s14+$0x0] =	vst v4;
	v17 =	vld.idx.msk [tilespmem:v27+s16+$0x0], $0xffff  }
0x1a0: {  	s7 =	sadd.s32 $0x10, s5;
	s12 =	sor.u32 $0x200, s5;
	v16 =	vor.u32 $0x80, v23;
	[tilespmem:s31+$0xE080] =	vst v11;
	v10 =	vld.idx.msk [tilespmem:v10+s16+$0x0], $0xffff  }
0x1a1: {  	s13 =	sor.u32 $0x200, s7;
	v11 =	vor.u32 $0x80, v13;
	[tilespmem:s12+$0xE080] =	vst v7;
	v7 =	vld.idx.msk [tilespmem:v12+s16+$0x0], $0xffff  }
0x1a2: {  	s28 =	sor.u32 s21, s29;
	[tilespmem:s13+$0xE080] =	vst v8;
	v4 =	vld.idx.msk [tilespmem:v9+s16+$0x0], $0xffff;
	v9 =	vor.u32 $0x80, v27  }
0x1a3: {  	s9 =	sor.u32 s24, s29;
	v8 =	vor.u32 $0x100, v0;
	[tilespmem:s28+$0x0] =	vst v14  }
0x1a4: {  	s25 =	sor.u32 s10, s29;
	v12 =	vld.idx.msk [tilespmem:v15+s16+$0x0], $0xffff;
	v14 =	vor.u32 $0x280, v1;
	[tilespmem:s9+$0x0] =	vst v5  }
0x1a5: {  	s18 =	sadd.s32 $0x20, s5;
	v3 =	vor.u32 $0x380, v3;
	v15 =	vld.idx.msk [tilespmem:v16+s16+$0x0], $0xffff;
	[tilespmem:s25+$0x0] =	vst v17  }
0x1a6: {  	v19 =	vor.u32 $0x280, v6;
	s22 =	sor.u32 $0x200, s18;
	v20 =	vld.idx.msk [tilespmem:v11+s16+$0x0], $0xffff;
	[tilespmem:s14+$0x80] =	vst v10  }
0x1a7: {  	v28 =	vor.u32 $0x300, v2;
	s17 =	sor.u32 $0x300, s6;
	[tilespmem:s22+$0xE080] =	vst v7;
	v26 =	vld.idx.msk [tilespmem:v9+s16+$0x0], $0xffff  }
0x1a8: {  	v24 =	vor.u32 $0x100, v23;
	v29 =	vor.u32 $0x100, v13;
	s24 =	sor.u32 $0x280, s5;
	v18 =	vor.u32 $0x180, v13;
	[tilespmem:s17+$0xE080] =	vst v4;
	v32 =	vld.idx.msk [tilespmem:v8+s16+$0x0], $0xffff  }
0x1a9: {  	s26 =	sor.u32 $0x2, s15;
	v31 =	vor.u32 $0x100, v27;
	v16 =	vor.u32 $0x180, v27;
	v5 =	vor.u32 $0x300, v1;
	[tilespmem:s24+$0xE080] =	vst v12;
	v21 =	vld.idx.msk [tilespmem:v14+s16+$0x0], $0xffff  }
0x1aa: {  	v1 =	vor.u32 $0x380, v1;
	v17 =	vor.u32 $0x180, v23;
	v7 =	vor.u32 $0x280, v23;
	v30 =	vld.idx.msk [tilespmem:v3+s16+$0x0], $0xffff;
	[dreg:$0x17] =	wrdreg s26  }
0x1ab: {  	s30 =	simm.s32 $0x4;
	s0 =	sor.u32 s0, s0;
	s29 =	sor.u32 s20, s1;
	v4 =	vor.u32 $0x300, v6;
	v12 =	vor.u32 $0x200, v23;
	v3 =	vor.u32 $0x380, v2;
	[tilespmem:s28+$0x80] =	vst v15;
	v22 =	vld.idx.msk [tilespmem:v19+s16+$0x0], $0xffff  }
0x1ac: {  	s21 =	sor.u32 $0x380, s29;
	s4 =	sor.u32 $0x380, s7;
	s3 =	sor.u32 $0x300, s18;
	v2 =	vor.u32 $0x380, v6;
	v6 =	vor.u32 $0x300, v23;
	v15 =	vor.u32 $0x380, v23;
	v23 =	vld.idx.msk [tilespmem:v28+s16+$0x0], $0xffff;
	[tilespmem:s9+$0x80] =	vst v20  }
0x1ad: {  	s15 =	sor.u32 $0x380, s18;
	s19 =	sor.u32 $0x380, s0;
	s0 =	sor.u32 $0x300, s7;
	v11 =	vor.u32 $0x200, v13;
	v10 =	vor.u32 $0x200, v27;
	v9 =	vor.u32 $0x280, v13;
	v25 =	vld.idx.msk [tilespmem:v24+s16+$0x0], $0xffff;
	[tilespmem:s25+$0x80] =	vst v26  }
0x1ae: {  	s13 =	simm.s32 $0x80;
	s31 =	sor.u32 $0x380, s6;
	s12 =	simm.s32 $0x400;
	v8 =	vor.u32 $0x280, v27;
	v14 =	vor.u32 $0x380, v13;
	v19 =	vor.u32 $0x300, v27;
	v24 =	vld.idx.msk [tilespmem:v29+s16+$0x0], $0xffff;
	[tilespmem:s14+$0x100] =	vst v32  }
0x1af: {  	s24 =	sor.u32 $0x280, s18;
	s17 =	sor.u32 $0x300, s5;
	s26 =	sor.u32 $0x280, s7;
	v20 =	vor.u32 $0x300, v13;
	v13 =	vor.u32 $0x380, v27;
	v27 =	vor.u32 $0x180, v0;
	v26 =	vld.idx.msk [tilespmem:v31+s16+$0x0], $0xffff;
	[tilespmem:s31+$0xE080] =	vst v30  }
.LBB2_7:
0x1b0: {  	_ =	sdelay $0x3  }
0x1b1: {  	s29 =	sand.u32 $0x40, s13;
	s6 =	sand.u32 $0x1C00, s12;
	v27 =	vld.idx.msk [tilespmem:v27+s16+$0x0], $0xffff;
	s1 =	rddreg [dreg:$0x5];
	[tilespmem:s26+$0xE080] =	vst v21  }
0x1b2: {  	s2 =	sadd.s32 s6, s1;
	s31 =	sor.u32 $0x30, s29;
	[tilespmem:s24+$0xE080] =	vst v22;
	v21 =	vld.idx.msk [tilespmem:v5+s16+$0x0], $0xffff  }
0x1b3: {  	s5 =	sadd.s32 s31, s2;
	v22 =	vld.idx.msk [tilespmem:v4+s16+$0x0], $0xffff  }
0x1b4: {  	s8 =	sor.u32 $0x10, s29;
	s10 =	sadd.s32 s29, s2;
	[tilespmem:s28+$0x100] =	vst v25;
	v4 =	vmov v19;
	v19 =	vld [tilespmem:s5+$0x0]  }
0x1b5: {  	s1 =	sor.u32 $0x20, s29;
	s11 =	sadd.s32 s8, s2;
	v5 =	vmov v20;
	v20 =	vor.u32 $0x200, v0;
	[tilespmem:s9+$0x100] =	vst v24;
	v24 =	vld [tilespmem:s10+$0x0]  }
0x1b6: {  	s26 =	sadd.s32 s1, s2;
	[tilespmem:s25+$0x100] =	vst v26;
	v25 =	vld [tilespmem:s11+$0x0]  }
0x1b7: {  	s7 =	simm.s32 $0x6080;
	[tilespmem:s17+$0xE080] =	vst v23;
	v23 =	vld [tilespmem:s26+$0x0]  }
0x1b8: {  	[tilespmem:s14+$0x180] =	vst v27;
	v17 =	vld.idx.msk [tilespmem:v17+s7+$0x0], $0xffff  }
0x1b9: {  	p2 =	por !p2, !p2;
	s5 =	simm.s32 $0x1;
	v28 =	vld.idx.msk [tilespmem:v3+s7+$0x0], $0xffff;
	[tilespmem:s0+$0xE080] =	vst v21;
	v21 =	vshll.u32 v19, $0x3  }
0x1ba: {  	s5 =	simm.s32 @!p2 $0x0;
	v20 =	vld.idx.msk [tilespmem:v20+s7+$0x0], $0xffff;
	[tilespmem:s3+$0xE080] =	vst v22;
	v19 =	vand.u32 $0x7F, v19;
	v22 =	vor.u32 $0x280, v0;
	v21 =	vand.u32 $0xFFFFFC00, v21  }
0x1bb: {  	s16 =	sshll.u32 s5, $0x6;
	v18 =	vld.idx.msk [tilespmem:v18+s7+$0x0], $0xffff;
	v26 =	vshll.u32 v24, $0x3;
	v27 =	vshll.u32 v25, $0x3;
	v21 =	vor.u32 v19, v21  }
0x1bc: {  	s17 =	sadd.s32 s16, s20;
	v16 =	vld.idx.msk [tilespmem:v16+s7+$0x0], $0xffff;
	v19 =	vand.u32 $0xFFFFFC00, v26;
	v26 =	vand.u32 $0xFFFFFC00, v27;
	v27 =	vshll.u32 v23, $0x3  }
0x1bd: {  	v3 =	vmovc v15;
	s5 =	sadd.s32 $0x30, s17;
	v15 =	vand.u32 $0x7F, v24;
	v24 =	vand.u32 $0x7F, v25;
	v25 =	vand.u32 $0xFFFFFC00, v27;
	v27 =	vld.idx.msk [tilespmem:v1+s7+$0x0], $0xffff  }
0x1be: {  	s3 =	sor.u32 $0x200, s5;
	[tilespmem:s28+$0x180] =	vst v17;
	v1 =	vmov v14;
	v14 =	vor.u32 v15, v19;
	v19 =	vld.idx.msk [tilespmem:v2+s7+$0x0], $0xffff  }
0x1bf: {  	v15 =	vand.u32 $0x7F, v23;
	v33 =	vld.idx.msk [tilespmem:v12+s7+$0x0], $0xffff;
	[tilespmem:s3+$0xE080] =	vst v20  }
0x1c0: {  	v24 =	vor.u32 v24, v26;
	[tilespmem:s19+$0xE080] =	vst v28;
	v25 =	vor.u32 v15, v25;
	v15 =	vld.idx.msk [tilespmem:v22+s7+$0x0], $0xffff  }
0x1c1: {  	v34 =	vor.u32 $0x300, v0;
	v35 =	vor.u32 $0x80, v21;
	[tilespmem:s9+$0x180] =	vst v18;
	v31 =	vld.idx.msk [tilespmem:v21+s7+$0x0], $0xffff  }
0x1c2: {  	s18 =	smov.u32 s4;
	v23 =	vor.u32 $0x80, v14;
	v26 =	vor.u32 $0x80, v24;
	v29 =	vor.u32 $0x100, v14;
	[tilespmem:s25+$0x180] =	vst v16  }
0x1c3: {  	s4 =	smov.u32 s21;
	s21 =	sadd.s32 $0x10, s17;
	v30 =	vor.u32 $0x100, v24;
	v17 =	vor.u32 $0x180, v14;
	v12 =	vor.u32 $0x200, v14;
	v36 =	vld.idx.msk [tilespmem:v11+s7+$0x0], $0xffff;
	[tilespmem:s18+$0xE080] =	vst v27  }
0x1c4: {  	s14 =	sor.u32 $0x380, s21;
	v39 =	vor.u32 $0x280, v24;
	v41 =	vor.u32 $0x300, v14;
	v32 =	vor.u32 $0x100, v25;
	s25 =	sor.u32 $0xE080, s6;
	v28 =	vld.idx.msk [tilespmem:v14+s7+$0x0], $0xffff;
	s18 =	sor.u32 $0x280, s5;
	[tilespmem:s15+$0xE080] =	vst v19  }
0x1c5: {  	s19 =	smov.u32 s4;
	s4 =	smov.u32 s14;
	v37 =	vor.u32 $0x200, v25;
	v40 =	vor.u32 $0x280, v25;
	v20 =	vor.u32 $0x300, v24;
	s14 =	sor.u32 s31, s25;
	v38 =	vld.idx.msk [tilespmem:v24+s7+$0x0], $0xffff;
	[tilespmem:s18+$0xE080] =	vst v15  }
0x1c6: {  	s20 =	sor.u32 $0x200, s17;
	v2 =	vmovc v13;
	v13 =	vor.u32 $0x380, v25;
	v18 =	vor.u32 $0x180, v24;
	v11 =	vor.u32 $0x200, v24;
	v42 =	vld.idx.msk [tilespmem:v25+s7+$0x0], $0xffff;
	[tilespmem:s14+$0x0] =	vst v31  }
0x1c7: {  	s11 =	sor.u32 $0x200, s21;
	v27 =	vor.u32 $0x280, v14;
	[tilespmem:s20+$0xE080] =	vst v33;
	v15 =	vor.u32 $0x380, v14;
	v14 =	vor.u32 $0x380, v24;
	v24 =	vld.idx.msk [tilespmem:v34+s7+$0x0], $0xffff  }
0x1c8: {  	s22 =	sadd.s32 $0x20, s17;
	v22 =	vor.u32 $0x80, v25;
	v16 =	vor.u32 $0x180, v25;
	s28 =	sor.u32 s29, s25;
	v19 =	vor.u32 $0x300, v25;
	[tilespmem:s11+$0xE080] =	vst v36;
	v25 =	vld.idx.msk [tilespmem:v35+s7+$0x0], $0xffff  }
0x1c9: {  	v61 =	vor.u32 $0x380, v0;
	s26 =	sor.u32 $0x200, s22;
	s24 =	sor.u32 $0x280, s22;
	v0 =	vmov v21;
	s9 =	sor.u32 s8, s25;
	v60 =	vld.idx.msk [tilespmem:v10+s7+$0x0], $0xffff;
	[tilespmem:s28+$0x0] =	vst v28  }
0x1ca: {  	s3 =	sor.u32 $0x300, s22;
	s22 =	sor.u32 $0x380, s22;
	s25 =	sor.u32 s1, s25;
	v21 =	vor.u32 $0x100, v0;
	v28 =	vld.idx.msk [tilespmem:v7+s7+$0x0], $0xffff;
	[tilespmem:s9+$0x0] =	vst v38  }
0x1cb: {  	s15 =	smov.u32 s22;
	s22 =	sor.u32 $0x300, s5;
	v23 =	vld.idx.msk [tilespmem:v23+s7+$0x0], $0xffff;
	[tilespmem:s25+$0x0] =	vst v42  }
0x1cc: {  	v26 =	vld.idx.msk [tilespmem:v26+s7+$0x0], $0xffff;
	[tilespmem:s22+$0xE080] =	vst v24  }
0x1cd: {  	v62 =	vld.idx.msk [tilespmem:v22+s7+$0x0], $0xffff;
	[tilespmem:s14+$0x80] =	vst v25  }
0x1ce: {  	s16 =	sor.u32 $0x280, s17;
	[dreg:$0x6] =	wrdreg s26;
	v33 =	vld.idx.msk [tilespmem:v61+s7+$0x0], $0xffff  }
0x1cf: {  	s30 =	sadd.s32 $0x4, s30;
	s29 =	rddreg [dreg:$0x6];
	[tilespmem:s16+$0xE080] =	vst v28;
	s16 =	simm.s32 $0x6080;
	v63 =	vld.idx.msk [tilespmem:v21+s7+$0x0], $0xffff  }
0x1d0: {  	p3 =	slt.u32 s30, $0x3C;
	[tilespmem:s29+$0xE080] =	vst v60;
	v21 =	vld.idx.msk [tilespmem:v9+s16+$0x0], $0xffff  }
.Ltmp4:
0x1d1: {  	[tilespmem:s28+$0x80] =	vst v23;
	v22 =	vld.idx.msk [tilespmem:v8+s16+$0x0], $0xffff;
	(pc) =	sbr.rel @p3 .LBB2_7-.Ltmp4, $4  }
0x1d2: {  	s10 =	sor.u32 s12, s13;
	s13 =	sadd.s32 $0x40, s13;
	[tilespmem:s9+$0x80] =	vst v26;
	v25 =	vld.idx.msk [tilespmem:v29+s16+$0x0], $0xffff  }
0x1d3: {  	s2 =	sor.u32 $0x380, s10;
	s10 =	smov.u32 s12;
	s31 =	sor.u32 $0x380, s5;
	[tilespmem:s25+$0x80] =	vst v62;
	v24 =	vld.idx.msk [tilespmem:v30+s16+$0x0], $0xffff  }
0x1d4: {  	s12 =	sadd.s32 $0x200, s12;
	s17 =	sor.u32 $0x300, s17;
	s0 =	sor.u32 $0x300, s21;
	v10 =	vmov v37;
	v26 =	vld.idx.msk [tilespmem:v32+s16+$0x0], $0xffff;
	[tilespmem:s31+$0xE080] =	vst v33  }
0x1d5: {  	s26 =	sor.u32 $0x280, s21;
	s21 =	smov.u32 s2;
	s20 =	smov.u32 s10;
	v7 =	vmovc v27;
	v27 =	vor.u32 $0x180, v0;
	v9 =	vmovc v39;
	v8 =	vmov v40;
	v23 =	vld.idx.msk [tilespmem:v6+s16+$0x0], $0xffff;
	v6 =	vmov v41;
	[tilespmem:s14+$0x100] =	vst v63  }
0x1d6: {  	_ =	sdelay $0x3  }
0x1d7: {  	v27 =	vld.idx.msk [tilespmem:v27+s16+$0x0], $0xffff  }
0x1d8: {  	[tilespmem:s28+$0x100] =	vst v25;
	v25 =	vor.u32 $0x200, v0  }
0x1d9: {  	v17 =	vld.idx.msk [tilespmem:v17+s16+$0x0], $0xffff  }
0x1da: {  	[tilespmem:s9+$0x100] =	vst v24  }
0x1db: {  	[tilespmem:s25+$0x100] =	vst v26;
	v18 =	vld.idx.msk [tilespmem:v18+s16+$0x0], $0xffff  }
0x1dc: {  	p2 =	por !p2, !p2;
	s1 =	simm.s32 $0x1;
	v16 =	vld.idx.msk [tilespmem:v16+s16+$0x0], $0xffff;
	[tilespmem:s14+$0x180] =	vst v27  }
0x1dd: {  	[tilespmem:s26+$0xE080] =	vst v21;
	s1 =	simm.s32 @!p2 $0x0;
	v24 =	vld.idx.msk [tilespmem:v25+s16+$0x0], $0xffff  }
0x1de: {  	s1 =	sshll.u32 s1, $0x6;
	[tilespmem:s28+$0x180] =	vst v17;
	v17 =	vor.u32 $0x280, v0  }
0x1df: {  	[tilespmem:s24+$0xE080] =	vst v22;
	s1 =	sadd.s32 s1, s20;
	v12 =	vld.idx.msk [tilespmem:v12+s16+$0x0], $0xffff  }
0x1e0: {  	v5 =	vld.idx.msk [tilespmem:v5+s16+$0x0], $0xffff;
	s2 =	sadd.s32 $0x30, s1;
	[tilespmem:s9+$0x180] =	vst v18  }
0x1e1: {  	s5 =	sor.u32 $0x200, s2;
	[tilespmem:s25+$0x180] =	vst v16;
	v11 =	vld.idx.msk [tilespmem:v11+s16+$0x0], $0xffff  }
0x1e2: {  	v10 =	vld.idx.msk [tilespmem:v10+s16+$0x0], $0xffff;
	[tilespmem:s5+$0xE080] =	vst v24  }
0x1e3: {  	s7 =	sor.u32 $0x200, s1;
	[tilespmem:s17+$0xE080] =	vst v23;
	v16 =	vld.idx.msk [tilespmem:v17+s16+$0x0], $0xffff  }
0x1e4: {  	v4 =	vld.idx.msk [tilespmem:v4+s16+$0x0], $0xffff;
	s6 =	sadd.s32 $0x10, s1;
	[tilespmem:s7+$0xE080] =	vst v12;
	v12 =	vor.u32 $0x300, v0  }
0x1e5: {  	s29 =	sadd.s32 $0x20, s1;
	s8 =	sor.u32 $0x200, s6;
	v3 =	vld.idx.msk [tilespmem:v3+s16+$0x0], $0xffff;
	[tilespmem:s0+$0xE080] =	vst v5  }
0x1e6: {  	s31 =	sor.u32 $0x200, s29;
	[tilespmem:s8+$0xE080] =	vst v11;
	v7 =	vld.idx.msk [tilespmem:v7+s16+$0x0], $0xffff  }
0x1e7: {  	s9 =	sor.u32 $0x280, s2;
	[tilespmem:s31+$0xE080] =	vst v10;
	v9 =	vld.idx.msk [tilespmem:v9+s16+$0x0], $0xffff  }
0x1e8: {  	v8 =	vld.idx.msk [tilespmem:v8+s16+$0x0], $0xffff;
	[tilespmem:s9+$0xE080] =	vst v16  }
0x1e9: {  	[tilespmem:s3+$0xE080] =	vst v4;
	v5 =	vld.idx.msk [tilespmem:v12+s16+$0x0], $0xffff  }
0x1ea: {  	s10 =	sor.u32 $0x280, s1;
	v1 =	vld.idx.msk [tilespmem:v1+s16+$0x0], $0xffff;
	[tilespmem:s19+$0xE080] =	vst v3;
	v0 =	vor.u32 $0x380, v0  }
0x1eb: {  	s11 =	sor.u32 $0x280, s6;
	v2 =	vld.idx.msk [tilespmem:v2+s16+$0x0], $0xffff;
	[tilespmem:s10+$0xE080] =	vst v7  }
0x1ec: {  	s12 =	sor.u32 $0x280, s29;
	v6 =	vld.idx.msk [tilespmem:v6+s16+$0x0], $0xffff;
	[tilespmem:s11+$0xE080] =	vst v9  }
0x1ed: {  	s13 =	sor.u32 $0x300, s2;
	v7 =	vld.idx.msk [tilespmem:v20+s16+$0x0], $0xffff;
	[tilespmem:s12+$0xE080] =	vst v8  }
0x1ee: {  	v4 =	vld.idx.msk [tilespmem:v19+s16+$0x0], $0xffff;
	[tilespmem:s13+$0xE080] =	vst v5  }
0x1ef: {  	[tilespmem:s4+$0xE080] =	vst v1;
	v0 =	vld.idx.msk [tilespmem:v0+s16+$0x0], $0xffff  }
0x1f0: {  	s1 =	sor.u32 $0x300, s1;
	[tilespmem:s15+$0xE080] =	vst v2  }
0x1f1: {  	s14 =	sor.u32 $0x300, s6;
	[tilespmem:s1+$0xE080] =	vst v6  }
0x1f2: {  	s17 =	sor.u32 $0x300, s29;
	[tilespmem:s14+$0xE080] =	vst v7;
	v3 =	vld.idx.msk [tilespmem:v15+s16+$0x0], $0xffff  }
0x1f3: {  	s18 =	sor.u32 $0x380, s2;
	[tilespmem:s17+$0xE080] =	vst v4;
	v4 =	vld.idx.msk [tilespmem:v14+s16+$0x0], $0xffff  }
0x1f4: {  	v1 =	vld.idx.msk [tilespmem:v13+s16+$0x0], $0xffff;
	[tilespmem:s18+$0xE080] =	vst v0  }
0x1f5: {  	s0 =	rddreg [dreg:$0x9]  }
0x1f6: {  	s1 =	rddreg [dreg:$0x17]  }
0x1f7: {  	s19 =	sor.u32 $0x380, s6;
	s0 =	sadd.s32 s0, s1;
	[tilespmem:s21+$0xE080] =	vst v3  }
0x1f8: {  	s20 =	sor.u32 $0x380, s29;
	s0 =	sshll.u32 s0, $0xA;
	[tilespmem:s19+$0xE080] =	vst v4  }
0x1f9: {  	s22 =	simm.s32 $0x0;
	s21 =	rddreg [dreg:$0x3];
	s0 =	sand.u32 $0x1FFFF800, s0;
	[tilespmem:s20+$0xE080] =	vst v1  }
0x1fa: {  	s24 =	simm.s32 $0xE080;
	s0 =	sadd.s32 s21, s0;
	s15 =	rddreg [dreg:$0x15]  }
0x1fb: {  	[hbm4b:s0+s22] =	stream.linear.scatter [tilespmem:s24], [sflag:$0x7], $0x2000, $0x38;
	[tilespmem:$0x12080] =	vst v63  }
0x1fc: {  	s0 =	rddreg [dreg:$0xf]  }
0x1fd: {  	s0 =	sadd.s32 @!p1 s15, s0  }
0x1fe: {  	s0 =	sshll.u32 @!p1 s0, $0xA  }
0x1ff: {  	s2 =	simm.s32 @!p1 $0x6080;
	s1 =	rddreg [dreg:$0x0];
	s0 =	sand.u32 @!p1 $0x1FFFF800, s0  }
0x200: {  	s25 =	simm.s32 $0x4;
	s0 =	sadd.s32 @!p1 s1, s0;
	s1 =	simm.s32 @!p1 $0x0  }
0x201: {  	[tilespmem:s2], [sflag:$0x3] =	stream.linear.gather @!p1 [hbm4b:s0+s1], $0x2000, $0x38;
	[tilespmem:$0x12080] =	vst v63  }
0x202: {  	_ =	swait.ge [sflag:s25], $0x2000  }
0x203: {  	[sflag:s25] =	ssyncset.done $0x0  }
0x204: {  	s1 =	simm.s32 @!p0 $0x8;
	[sflag:s25] =	ssyncadd.s32 $0xFFFFE000  }
0x205: {  	s0 =	simm.s32 $0x0;
	_ =	swait.ge @!p0 [sflag:s1], $0x2000  }
0x206: {  	s26 =	sand.u32 $0x40, s0;
	s29 =	sand.u32 $0x1C00, s0;
	s31 =	rddreg [dreg:$0x5]  }
0x207: {  	s10 =	sor.u32 $0x30, s26;
	[sflag:s1] =	ssyncset.done @!p0 $0x0;
	s8 =	sadd.s32 s29, s31  }
0x208: {  	[sflag:s1] =	ssyncadd.s32 @!p0 $0xFFFFE000;
	s11 =	sadd.s32 s10, s8  }
0x209: {  	v0 =	vld [tilespmem:s11+$0x0];
	_ =	sdelay $0x2  }
0x20a: {  	s12 =	sor.u32 $0x10, s26;
	s13 =	sadd.s32 s26, s8  }
0x20b: {  	s14 =	sadd.s32 s12, s8;
	v1 =	vld [tilespmem:s13+$0x0]  }
0x20c: {  	s16 =	sor.u32 $0x20, s26;
	v2 =	vld [tilespmem:s14+$0x0];
	v3 =	vshll.u32 v0, $0x3  }
0x20d: {  	s4 =	sadd.s32 s16, s8;
	v0 =	vand.u32 $0x7F, v0;
	v3 =	vand.u32 $0xFFFFFC00, v3  }
0x20e: {  	v3 =	vor.u32 v0, v3;
	v0 =	vld [tilespmem:s4+$0x0];
	_ =	sdelay $0x1  }
0x20f: {  	v4 =	vshll.u32 v1, $0x3  }
0x210: {  	v5 =	vshll.u32 v2, $0x3;
	v1 =	vand.u32 $0x7F, v1;
	v4 =	vand.u32 $0xFFFFFC00, v4  }
0x211: {  	s20 =	simm.s32 $0x8080;
	v6 =	vand.u32 $0x7F, v2;
	v5 =	vand.u32 $0xFFFFFC00, v5;
	v2 =	vor.u32 v1, v4  }
0x212: {  	v1 =	vor.u32 v6, v5;
	v4 =	vld.idx.msk [tilespmem:v3+s20+$0x0], $0xffff;
	v5 =	vshll.u32 v0, $0x3  }
0x213: {  	v7 =	vor.u32 $0x80, v3;
	v0 =	vand.u32 $0x7F, v0;
	v5 =	vand.u32 $0xFFFFFC00, v5  }
0x214: {  	v6 =	vor.u32 v0, v5  }
0x215: {  	s17 =	sor.u32 $0x10080, s29  }
0x216: {  	s5 =	sor.u32 s10, s17;
	v0 =	vld.idx.msk [tilespmem:v2+s20+$0x0], $0xffff  }
0x217: {  	v8 =	vld.idx.msk [tilespmem:v1+s20+$0x0], $0xffff;
	v5 =	vor.u32 $0x80, v2;
	[tilespmem:s5+$0x0] =	vst v4  }
0x218: {  	v4 =	vor.u32 $0x80, v1;
	v7 =	vld.idx.msk [tilespmem:v7+s20+$0x0], $0xffff  }
0x219: {  	v9 =	vor.u32 $0x100, v3;
	v10 =	vld.idx.msk [tilespmem:v6+s20+$0x0], $0xffff  }
0x21a: {  	s3 =	sor.u32 s26, s17;
	v11 =	vor.u32 $0x80, v6  }
0x21b: {  	s18 =	sor.u32 s12, s17;
	[tilespmem:s3+$0x0] =	vst v0  }
0x21c: {  	[tilespmem:s18+$0x0] =	vst v8;
	v0 =	vld.idx.msk [tilespmem:v5+s20+$0x0], $0xffff  }
0x21d: {  	s7 =	simm.s32 $0x200;
	s21 =	simm.s32 $0x40;
	s19 =	sor.u32 s16, s17;
	v5 =	vor.u32 $0x100, v2;
	v4 =	vld.idx.msk [tilespmem:v4+s20+$0x0], $0xffff;
	[tilespmem:s5+$0x80] =	vst v7  }
0x21e: {  	s22 =	sand.u32 $0x40, s21;
	s12 =	sand.u32 $0x1C00, s7;
	v7 =	vor.u32 $0x100, v1;
	v8 =	vld.idx.msk [tilespmem:v9+s20+$0x0], $0xffff;
	[tilespmem:s19+$0x0] =	vst v10  }
0x21f: {  	s25 =	sor.u32 $0x10, s22;
	s24 =	sadd.s32 s12, s31;
	v10 =	vld.idx.msk [tilespmem:v11+s20+$0x0], $0xffff  }
0x220: {  	s26 =	sadd.s32 s25, s24;
	v9 =	vor.u32 $0x180, v3  }
0x221: {  	v13 =	vld [tilespmem:s26+$0x0];
	[tilespmem:s3+$0x80] =	vst v0  }
0x222: {  	s11 =	sor.u32 $0x30, s22;
	v11 =	vor.u32 $0x100, v6;
	v0 =	vld.idx.msk [tilespmem:v5+s20+$0x0], $0xffff;
	[tilespmem:s18+$0x80] =	vst v4  }
0x223: {  	s9 =	sadd.s32 s11, s24;
	v4 =	vld.idx.msk [tilespmem:v7+s20+$0x0], $0xffff;
	[tilespmem:s5+$0x100] =	vst v8  }
0x224: {  	s10 =	sor.u32 $0x20, s22;
	v8 =	vld [tilespmem:s9+$0x0];
	[tilespmem:s19+$0x80] =	vst v10;
	v10 =	vor.u32 $0x180, v2  }
0x225: {  	s6 =	sadd.s32 s10, s24;
	v12 =	vor.u32 $0x180, v1;
	v5 =	vld.idx.msk [tilespmem:v9+s20+$0x0], $0xffff  }
0x226: {  	v14 =	vld [tilespmem:s6+$0x0];
	v7 =	vor.u32 $0x200, v3  }
0x227: {  	s13 =	sadd.s32 s22, s24;
	v9 =	vld.idx.msk [tilespmem:v11+s20+$0x0], $0xffff  }
0x228: {  	v11 =	vld [tilespmem:s13+$0x0];
	[tilespmem:s3+$0x100] =	vst v0  }
0x229: {  	[tilespmem:s18+$0x100] =	vst v4;
	v15 =	vshll.u32 v8, $0x3;
	v4 =	vld.idx.msk [tilespmem:v10+s20+$0x0], $0xffff  }
0x22a: {  	p0 =	por $0x0, $0x0;
	v0 =	vand.u32 $0x7F, v8;
	[tilespmem:s5+$0x180] =	vst v5;
	s5 =	simm.s32 $0x1;
	v5 =	vor.u32 $0x180, v6;
	v8 =	vand.u32 $0xFFFFFC00, v15;
	v10 =	vld.idx.msk [tilespmem:v12+s20+$0x0], $0xffff  }
0x22b: {  	v7 =	vld.idx.msk [tilespmem:v7+s20+$0x0], $0xffff;
	s5 =	simm.s32 @!p0 $0x0;
	v0 =	vor.u32 v0, v8  }
0x22c: {  	v17 =	vshll.u32 v13, $0x3;
	v8 =	vor.u32 $0x200, v1;
	s5 =	sshll.u32 s5, $0x6  }
0x22d: {  	v13 =	vand.u32 $0x7F, v13;
	v15 =	vor.u32 $0x280, v3;
	v12 =	vshll.u32 v11, $0x3;
	[tilespmem:s19+$0x100] =	vst v9;
	s5 =	sadd.s32 $0x0, s5  }
0x22e: {  	v16 =	vor.u32 $0x200, v2;
	v11 =	vand.u32 $0x7F, v11;
	v9 =	vand.u32 $0xFFFFFC00, v12;
	s6 =	sadd.s32 $0x30, s5;
	[tilespmem:s3+$0x180] =	vst v4  }
0x22f: {  	v12 =	vand.u32 $0xFFFFFC00, v17;
	v17 =	vshll.u32 v14, $0x3;
	v23 =	vor.u32 v11, v9;
	s29 =	sor.u32 $0x200, s6;
	v5 =	vld.idx.msk [tilespmem:v5+s20+$0x0], $0xffff;
	[tilespmem:s18+$0x180] =	vst v10  }
0x230: {  	v13 =	vor.u32 v13, v12;
	v9 =	vand.u32 $0x7F, v14;
	[tilespmem:s29+$0x10080] =	vst v7;
	v7 =	vand.u32 $0xFFFFFC00, v17;
	v4 =	vld.idx.msk [tilespmem:v0+s20+$0x0], $0xffff  }
0x231: {  	v8 =	vld.idx.msk [tilespmem:v8+s20+$0x0], $0xffff;
	v27 =	vor.u32 v9, v7  }
0x232: {  	v10 =	vor.u32 $0x80, v0;
	v11 =	vld.idx.msk [tilespmem:v15+s20+$0x0], $0xffff  }
0x233: {  	v12 =	vor.u32 $0x200, v6;
	v7 =	vld.idx.msk [tilespmem:v16+s20+$0x0], $0xffff  }
0x234: {  	s31 =	sor.u32 $0x10080, s12;
	v9 =	vor.u32 $0x300, v3;
	v14 =	vld.idx.msk [tilespmem:v23+s20+$0x0], $0xffff  }
0x235: {  	s14 =	sor.u32 s11, s31;
	[tilespmem:s19+$0x180] =	vst v5;
	v5 =	vld.idx.msk [tilespmem:v13+s20+$0x0], $0xffff  }
0x236: {  	s8 =	sor.u32 $0x280, s6;
	v15 =	vor.u32 $0x280, v2;
	[tilespmem:s14+$0x0] =	vst v4;
	v17 =	vld.idx.msk [tilespmem:v27+s20+$0x0], $0xffff  }
0x237: {  	s12 =	sadd.s32 $0x10, s5;
	s13 =	sor.u32 $0x200, s5;
	v16 =	vor.u32 $0x80, v23;
	[tilespmem:s8+$0x10080] =	vst v11;
	v10 =	vld.idx.msk [tilespmem:v10+s20+$0x0], $0xffff  }
0x238: {  	s16 =	sor.u32 $0x200, s12;
	v11 =	vor.u32 $0x80, v13;
	[tilespmem:s13+$0x10080] =	vst v7;
	v7 =	vld.idx.msk [tilespmem:v12+s20+$0x0], $0xffff  }
0x239: {  	s28 =	sor.u32 s22, s31;
	[tilespmem:s16+$0x10080] =	vst v8;
	v4 =	vld.idx.msk [tilespmem:v9+s20+$0x0], $0xffff;
	v9 =	vor.u32 $0x80, v27  }
0x23a: {  	s9 =	sor.u32 s25, s31;
	v8 =	vor.u32 $0x100, v0;
	[tilespmem:s28+$0x0] =	vst v14  }
0x23b: {  	s25 =	sor.u32 s10, s31;
	v12 =	vld.idx.msk [tilespmem:v15+s20+$0x0], $0xffff;
	v14 =	vor.u32 $0x280, v1;
	[tilespmem:s9+$0x0] =	vst v5  }
0x23c: {  	s18 =	sadd.s32 $0x20, s5;
	v3 =	vor.u32 $0x380, v3;
	v15 =	vld.idx.msk [tilespmem:v16+s20+$0x0], $0xffff;
	[tilespmem:s25+$0x0] =	vst v17  }
0x23d: {  	v19 =	vor.u32 $0x280, v6;
	s22 =	sor.u32 $0x200, s18;
	v20 =	vld.idx.msk [tilespmem:v11+s20+$0x0], $0xffff;
	[tilespmem:s14+$0x80] =	vst v10  }
0x23e: {  	v28 =	vor.u32 $0x300, v2;
	s17 =	sor.u32 $0x300, s6;
	[tilespmem:s22+$0x10080] =	vst v7;
	v26 =	vld.idx.msk [tilespmem:v9+s20+$0x0], $0xffff  }
0x23f: {  	v24 =	vor.u32 $0x100, v23;
	v29 =	vor.u32 $0x100, v13;
	s24 =	sor.u32 $0x280, s5;
	v18 =	vor.u32 $0x180, v13;
	[tilespmem:s17+$0x10080] =	vst v4;
	v32 =	vld.idx.msk [tilespmem:v8+s20+$0x0], $0xffff  }
0x240: {  	s26 =	sor.u32 $0x3, s15;
	v31 =	vor.u32 $0x100, v27;
	v16 =	vor.u32 $0x180, v27;
	v5 =	vor.u32 $0x300, v1;
	[tilespmem:s24+$0x10080] =	vst v12;
	v21 =	vld.idx.msk [tilespmem:v14+s20+$0x0], $0xffff  }
0x241: {  	v1 =	vor.u32 $0x380, v1;
	v17 =	vor.u32 $0x180, v23;
	v7 =	vor.u32 $0x280, v23;
	v30 =	vld.idx.msk [tilespmem:v3+s20+$0x0], $0xffff;
	[dreg:$0x18] =	wrdreg s26  }
0x242: {  	s30 =	simm.s32 $0x4;
	s0 =	sor.u32 s0, s0;
	s31 =	sor.u32 $0x380, s6;
	v4 =	vor.u32 $0x300, v6;
	v12 =	vor.u32 $0x200, v23;
	v3 =	vor.u32 $0x380, v2;
	[tilespmem:s28+$0x80] =	vst v15;
	v22 =	vld.idx.msk [tilespmem:v19+s20+$0x0], $0xffff  }
0x243: {  	s4 =	sor.u32 $0x380, s12;
	s29 =	sor.u32 s7, s21;
	s3 =	sor.u32 $0x300, s18;
	v2 =	vor.u32 $0x380, v6;
	v6 =	vor.u32 $0x300, v23;
	v15 =	vor.u32 $0x380, v23;
	v23 =	vld.idx.msk [tilespmem:v28+s20+$0x0], $0xffff;
	[tilespmem:s9+$0x80] =	vst v20  }
0x244: {  	s15 =	sor.u32 $0x380, s18;
	s21 =	sor.u32 $0x380, s29;
	s19 =	sor.u32 $0x380, s0;
	v11 =	vor.u32 $0x200, v13;
	v10 =	vor.u32 $0x200, v27;
	v9 =	vor.u32 $0x280, v13;
	v25 =	vld.idx.msk [tilespmem:v24+s20+$0x0], $0xffff;
	[tilespmem:s25+$0x80] =	vst v26  }
0x245: {  	s0 =	sor.u32 $0x300, s12;
	s13 =	simm.s32 $0x80;
	s24 =	sor.u32 $0x280, s18;
	v8 =	vor.u32 $0x280, v27;
	v14 =	vor.u32 $0x380, v13;
	v19 =	vor.u32 $0x300, v27;
	v24 =	vld.idx.msk [tilespmem:v29+s20+$0x0], $0xffff;
	[tilespmem:s14+$0x100] =	vst v32  }
0x246: {  	s17 =	sor.u32 $0x300, s5;
	s26 =	sor.u32 $0x280, s12;
	s12 =	simm.s32 $0x400;
	v20 =	vor.u32 $0x300, v13;
	v13 =	vor.u32 $0x380, v27;
	v27 =	vor.u32 $0x180, v0;
	v26 =	vld.idx.msk [tilespmem:v31+s20+$0x0], $0xffff;
	[tilespmem:s31+$0x10080] =	vst v30  }
.LBB2_9:
0x247: {  	_ =	sdelay $0x3  }
0x248: {  	s29 =	sand.u32 $0x40, s13;
	s6 =	sand.u32 $0x1C00, s12;
	v27 =	vld.idx.msk [tilespmem:v27+s20+$0x0], $0xffff;
	s1 =	rddreg [dreg:$0x5];
	[tilespmem:s26+$0x10080] =	vst v21  }
0x249: {  	s2 =	sadd.s32 s6, s1;
	s31 =	sor.u32 $0x30, s29;
	[tilespmem:s24+$0x10080] =	vst v22;
	v21 =	vld.idx.msk [tilespmem:v5+s20+$0x0], $0xffff  }
0x24a: {  	s5 =	sadd.s32 s31, s2;
	v22 =	vld.idx.msk [tilespmem:v4+s20+$0x0], $0xffff  }
0x24b: {  	s8 =	sor.u32 $0x10, s29;
	s10 =	sadd.s32 s29, s2;
	[tilespmem:s28+$0x100] =	vst v25;
	v4 =	vmov v19;
	v19 =	vld [tilespmem:s5+$0x0]  }
0x24c: {  	s1 =	sor.u32 $0x20, s29;
	s11 =	sadd.s32 s8, s2;
	v5 =	vmov v20;
	v20 =	vor.u32 $0x200, v0;
	[tilespmem:s9+$0x100] =	vst v24;
	v24 =	vld [tilespmem:s10+$0x0]  }
0x24d: {  	s16 =	sadd.s32 s1, s2;
	[tilespmem:s25+$0x100] =	vst v26;
	v25 =	vld [tilespmem:s11+$0x0]  }
0x24e: {  	[tilespmem:s17+$0x10080] =	vst v23;
	v23 =	vld [tilespmem:s16+$0x0]  }
0x24f: {  	[tilespmem:s14+$0x180] =	vst v27;
	v17 =	vld.idx.msk [tilespmem:v17+s20+$0x0], $0xffff  }
0x250: {  	v28 =	vld.idx.msk [tilespmem:v3+s20+$0x0], $0xffff;
	[tilespmem:s0+$0x10080] =	vst v21;
	v21 =	vshll.u32 v19, $0x3  }
0x251: {  	p0 =	por !p0, !p0;
	s5 =	simm.s32 $0x1;
	v20 =	vld.idx.msk [tilespmem:v20+s20+$0x0], $0xffff;
	[tilespmem:s3+$0x10080] =	vst v22;
	v19 =	vand.u32 $0x7F, v19;
	v22 =	vor.u32 $0x280, v0;
	v21 =	vand.u32 $0xFFFFFC00, v21  }
0x252: {  	s5 =	simm.s32 @!p0 $0x0;
	v18 =	vld.idx.msk [tilespmem:v18+s20+$0x0], $0xffff;
	v26 =	vshll.u32 v24, $0x3;
	v27 =	vshll.u32 v25, $0x3;
	v21 =	vor.u32 v19, v21  }
0x253: {  	s16 =	sshll.u32 s5, $0x6;
	v16 =	vld.idx.msk [tilespmem:v16+s20+$0x0], $0xffff;
	v19 =	vand.u32 $0xFFFFFC00, v26;
	v26 =	vand.u32 $0xFFFFFC00, v27;
	v27 =	vshll.u32 v23, $0x3  }
0x254: {  	v3 =	vmovc v15;
	s17 =	sadd.s32 s16, s7;
	s7 =	simm.s32 $0x8080;
	v15 =	vand.u32 $0x7F, v24;
	v24 =	vand.u32 $0x7F, v25;
	v25 =	vand.u32 $0xFFFFFC00, v27;
	v27 =	vld.idx.msk [tilespmem:v1+s20+$0x0], $0xffff  }
0x255: {  	s5 =	sadd.s32 $0x30, s17;
	[tilespmem:s28+$0x180] =	vst v17;
	v1 =	vmov v14;
	v14 =	vor.u32 v15, v19;
	v19 =	vld.idx.msk [tilespmem:v2+s7+$0x0], $0xffff  }
0x256: {  	s3 =	sor.u32 $0x200, s5;
	v33 =	vld.idx.msk [tilespmem:v12+s7+$0x0], $0xffff;
	[tilespmem:s19+$0x10080] =	vst v28  }
0x257: {  	v24 =	vor.u32 v24, v26;
	v15 =	vand.u32 $0x7F, v23;
	[tilespmem:s3+$0x10080] =	vst v20  }
0x258: {  	v25 =	vor.u32 v15, v25;
	v15 =	vld.idx.msk [tilespmem:v22+s7+$0x0], $0xffff;
	[tilespmem:s9+$0x180] =	vst v18  }
0x259: {  	s18 =	smov.u32 s4;
	v34 =	vor.u32 $0x300, v0;
	v35 =	vor.u32 $0x80, v21;
	[tilespmem:s25+$0x180] =	vst v16;
	v31 =	vld.idx.msk [tilespmem:v21+s7+$0x0], $0xffff  }
0x25a: {  	s4 =	smov.u32 s21;
	s21 =	sadd.s32 $0x10, s17;
	v23 =	vor.u32 $0x80, v14;
	v26 =	vor.u32 $0x80, v24;
	v29 =	vor.u32 $0x100, v14;
	v36 =	vld.idx.msk [tilespmem:v11+s7+$0x0], $0xffff;
	[tilespmem:s18+$0x10080] =	vst v27  }
0x25b: {  	s14 =	sor.u32 $0x380, s21;
	s20 =	sor.u32 $0x200, s17;
	v30 =	vor.u32 $0x100, v24;
	v17 =	vor.u32 $0x180, v14;
	v12 =	vor.u32 $0x200, v14;
	v28 =	vld.idx.msk [tilespmem:v14+s7+$0x0], $0xffff;
	[tilespmem:s15+$0x10080] =	vst v19  }
0x25c: {  	s19 =	smov.u32 s4;
	v39 =	vor.u32 $0x280, v24;
	v41 =	vor.u32 $0x300, v14;
	v32 =	vor.u32 $0x100, v25;
	s25 =	sor.u32 $0x10080, s6;
	s18 =	sor.u32 $0x280, s5;
	[tilespmem:s20+$0x10080] =	vst v33;
	v38 =	vld.idx.msk [tilespmem:v24+s7+$0x0], $0xffff  }
0x25d: {  	s4 =	smov.u32 s14;
	v37 =	vor.u32 $0x200, v25;
	v40 =	vor.u32 $0x280, v25;
	v20 =	vor.u32 $0x300, v24;
	s14 =	sor.u32 s31, s25;
	s20 =	simm.s32 $0x8080;
	v42 =	vld.idx.msk [tilespmem:v25+s7+$0x0], $0xffff;
	[tilespmem:s18+$0x10080] =	vst v15  }
0x25e: {  	s11 =	sor.u32 $0x200, s21;
	v22 =	vor.u32 $0x80, v25;
	v18 =	vor.u32 $0x180, v24;
	v11 =	vor.u32 $0x200, v24;
	v60 =	vld.idx.msk [tilespmem:v10+s20+$0x0], $0xffff;
	[tilespmem:s14+$0x0] =	vst v31  }
0x25f: {  	s22 =	sadd.s32 $0x20, s17;
	s28 =	sor.u32 s29, s25;
	v27 =	vor.u32 $0x280, v14;
	v15 =	vor.u32 $0x380, v14;
	v14 =	vor.u32 $0x380, v24;
	[tilespmem:s11+$0x10080] =	vst v36;
	v24 =	vld.idx.msk [tilespmem:v34+s7+$0x0], $0xffff  }
0x260: {  	s26 =	sor.u32 $0x200, s22;
	v2 =	vmovc v13;
	v13 =	vor.u32 $0x380, v25;
	v16 =	vor.u32 $0x180, v25;
	s9 =	sor.u32 s8, s25;
	v19 =	vor.u32 $0x300, v25;
	v25 =	vld.idx.msk [tilespmem:v35+s7+$0x0], $0xffff;
	[tilespmem:s28+$0x0] =	vst v28  }
0x261: {  	v61 =	vor.u32 $0x380, v0;
	s24 =	sor.u32 $0x280, s22;
	[dreg:$0x7] =	wrdreg s26;
	v0 =	vmov v21;
	s25 =	sor.u32 s1, s25;
	v28 =	vld.idx.msk [tilespmem:v7+s20+$0x0], $0xffff;
	[tilespmem:s9+$0x0] =	vst v38  }
0x262: {  	s3 =	sor.u32 $0x300, s22;
	s22 =	sor.u32 $0x380, s22;
	v21 =	vor.u32 $0x100, v0;
	s29 =	rddreg [dreg:$0x7];
	v23 =	vld.idx.msk [tilespmem:v23+s20+$0x0], $0xffff;
	[tilespmem:s25+$0x0] =	vst v42  }
0x263: {  	s15 =	smov.u32 s22;
	s22 =	sor.u32 $0x300, s5;
	v62 =	vld.idx.msk [tilespmem:v22+s20+$0x0], $0xffff;
	[tilespmem:s29+$0x10080] =	vst v60  }
0x264: {  	v26 =	vld.idx.msk [tilespmem:v26+s20+$0x0], $0xffff;
	[tilespmem:s22+$0x10080] =	vst v24  }
0x265: {  	v22 =	vld.idx.msk [tilespmem:v8+s20+$0x0], $0xffff;
	[tilespmem:s14+$0x80] =	vst v25  }
0x266: {  	s30 =	sadd.s32 $0x4, s30;
	s16 =	sor.u32 $0x280, s17;
	v33 =	vld.idx.msk [tilespmem:v61+s20+$0x0], $0xffff  }
0x267: {  	p2 =	slt.u32 s30, $0x3C;
	[tilespmem:s16+$0x10080] =	vst v28;
	v63 =	vld.idx.msk [tilespmem:v21+s20+$0x0], $0xffff  }
.Ltmp5:
0x268: {  	v21 =	vld.idx.msk [tilespmem:v9+s20+$0x0], $0xffff;
	[tilespmem:s28+$0x80] =	vst v23;
	(pc) =	sbr.rel @p2 .LBB2_9-.Ltmp5, $4  }
0x269: {  	s10 =	sor.u32 s12, s13;
	s13 =	sadd.s32 $0x40, s13;
	[tilespmem:s9+$0x80] =	vst v26;
	v25 =	vld.idx.msk [tilespmem:v29+s20+$0x0], $0xffff  }
0x26a: {  	s2 =	sor.u32 $0x380, s10;
	s10 =	smov.u32 s12;
	s31 =	sor.u32 $0x380, s5;
	[tilespmem:s25+$0x80] =	vst v62;
	v24 =	vld.idx.msk [tilespmem:v30+s20+$0x0], $0xffff  }
0x26b: {  	s12 =	sadd.s32 $0x200, s12;
	s0 =	sor.u32 $0x300, s21;
	s26 =	sor.u32 $0x280, s21;
	v10 =	vmov v37;
	v26 =	vld.idx.msk [tilespmem:v32+s20+$0x0], $0xffff;
	[tilespmem:s31+$0x10080] =	vst v33  }
0x26c: {  	s21 =	smov.u32 s2;
	s17 =	sor.u32 $0x300, s17;
	s7 =	smov.u32 s10;
	v7 =	vmovc v27;
	v27 =	vor.u32 $0x180, v0;
	v8 =	vmovc v40;
	v9 =	vmov v39;
	v23 =	vld.idx.msk [tilespmem:v6+s20+$0x0], $0xffff;
	v6 =	vmov v41;
	[tilespmem:s14+$0x100] =	vst v63  }
0x26d: {  	_ =	sdelay $0x3  }
0x26e: {  	v27 =	vld.idx.msk [tilespmem:v27+s20+$0x0], $0xffff  }
0x26f: {  	v52 =	vor.u32 $0x200, v0  }
0x270: {  	[tilespmem:s28+$0x100] =	vst v25  }
0x271: {  	[tilespmem:s9+$0x100] =	vst v24;
	v17 =	vld.idx.msk [tilespmem:v17+s20+$0x0], $0xffff  }
0x272: {  	[tilespmem:s25+$0x100] =	vst v26;
	v18 =	vld.idx.msk [tilespmem:v18+s20+$0x0], $0xffff  }
0x273: {  	p0 =	por !p0, !p0;
	s1 =	simm.s32 $0x1;
	v16 =	vld.idx.msk [tilespmem:v16+s20+$0x0], $0xffff;
	[tilespmem:s14+$0x180] =	vst v27  }
0x274: {  	[tilespmem:s26+$0x10080] =	vst v21;
	s1 =	simm.s32 @!p0 $0x0;
	v53 =	vld.idx.msk [tilespmem:v52+s20+$0x0], $0xffff  }
0x275: {  	v54 =	vor.u32 $0x280, v0;
	[tilespmem:s24+$0x10080] =	vst v22;
	s1 =	sshll.u32 s1, $0x6  }
0x276: {  	v5 =	vld.idx.msk [tilespmem:v5+s20+$0x0], $0xffff;
	s1 =	sadd.s32 s1, s7;
	[tilespmem:s28+$0x180] =	vst v17  }
0x277: {  	s2 =	sadd.s32 $0x30, s1;
	[tilespmem:s9+$0x180] =	vst v18;
	v12 =	vld.idx.msk [tilespmem:v12+s20+$0x0], $0xffff  }
0x278: {  	s5 =	sor.u32 $0x200, s2;
	[tilespmem:s25+$0x180] =	vst v16;
	v11 =	vld.idx.msk [tilespmem:v11+s20+$0x0], $0xffff  }
0x279: {  	v10 =	vld.idx.msk [tilespmem:v10+s20+$0x0], $0xffff;
	[tilespmem:s5+$0x10080] =	vst v53  }
0x27a: {  	[tilespmem:s17+$0x10080] =	vst v23;
	v55 =	vld.idx.msk [tilespmem:v54+s20+$0x0], $0xffff  }
0x27b: {  	v56 =	vor.u32 $0x300, v0;
	v4 =	vld.idx.msk [tilespmem:v4+s20+$0x0], $0xffff;
	s6 =	sadd.s32 $0x10, s1;
	s7 =	sor.u32 $0x200, s1;
	[tilespmem:s0+$0x10080] =	vst v5  }
0x27c: {  	s12 =	sadd.s32 $0x20, s1;
	s8 =	sor.u32 $0x200, s6;
	v3 =	vld.idx.msk [tilespmem:v3+s20+$0x0], $0xffff;
	[tilespmem:s7+$0x10080] =	vst v12  }
0x27d: {  	s13 =	sor.u32 $0x200, s12;
	[tilespmem:s8+$0x10080] =	vst v11;
	v7 =	vld.idx.msk [tilespmem:v7+s20+$0x0], $0xffff  }
0x27e: {  	s14 =	sor.u32 $0x280, s2;
	[tilespmem:s13+$0x10080] =	vst v10;
	v9 =	vld.idx.msk [tilespmem:v9+s20+$0x0], $0xffff  }
0x27f: {  	v8 =	vld.idx.msk [tilespmem:v8+s20+$0x0], $0xffff;
	[tilespmem:s14+$0x10080] =	vst v55  }
0x280: {  	[tilespmem:s3+$0x10080] =	vst v4;
	v57 =	vld.idx.msk [tilespmem:v56+s20+$0x0], $0xffff  }
0x281: {  	v58 =	vor.u32 $0x380, v0;
	s16 =	sor.u32 $0x280, s1;
	v1 =	vld.idx.msk [tilespmem:v1+s20+$0x0], $0xffff;
	[tilespmem:s19+$0x10080] =	vst v3  }
0x282: {  	s17 =	sor.u32 $0x280, s6;
	v2 =	vld.idx.msk [tilespmem:v2+s20+$0x0], $0xffff;
	[tilespmem:s16+$0x10080] =	vst v7  }
0x283: {  	s18 =	sor.u32 $0x280, s12;
	v6 =	vld.idx.msk [tilespmem:v6+s20+$0x0], $0xffff;
	[tilespmem:s17+$0x10080] =	vst v9  }
0x284: {  	s22 =	sor.u32 $0x300, s2;
	v59 =	vld.idx.msk [tilespmem:v20+s20+$0x0], $0xffff;
	[tilespmem:s18+$0x10080] =	vst v8  }
0x285: {  	v60 =	vld.idx.msk [tilespmem:v19+s20+$0x0], $0xffff;
	[tilespmem:s22+$0x10080] =	vst v57  }
0x286: {  	[tilespmem:s4+$0x10080] =	vst v1;
	v0 =	vld.idx.msk [tilespmem:v58+s20+$0x0], $0xffff  }
0x287: {  	s1 =	sor.u32 $0x300, s1;
	[tilespmem:s15+$0x10080] =	vst v2  }
0x288: {  	s24 =	sor.u32 $0x300, s6;
	[tilespmem:s1+$0x10080] =	vst v6  }
0x289: {  	s25 =	sor.u32 $0x300, s12;
	[tilespmem:s24+$0x10080] =	vst v59  }
0x28a: {  	s26 =	sor.u32 $0x380, s2;
	v61 =	vld.idx.msk [tilespmem:v15+s20+$0x0], $0xffff;
	[tilespmem:s25+$0x10080] =	vst v60  }
0x28b: {  	v62 =	vld.idx.msk [tilespmem:v14+s20+$0x0], $0xffff;
	[tilespmem:s26+$0x10080] =	vst v0  }
0x28c: {  	v63 =	vld.idx.msk [tilespmem:v13+s20+$0x0], $0xffff;
	s0 =	rddreg [dreg:$0x9]  }
0x28d: {  	s1 =	rddreg [dreg:$0x18]  }
.Ltmp6:
0x28e: {  	s0 =	sadd.s32 s0, s1;
	(pc) =	sbr.rel @p1 .LBB2_12-.Ltmp6, $4  }
0x28f: {  	s30 =	rddreg [dreg:$0x3];
	s28 =	sor.u32 $0x380, s6;
	[tilespmem:s21+$0x10080] =	vst v61;
	s0 =	sshll.u32 s0, $0xA  }
0x290: {  	s31 =	simm.s32 $0x10080;
	s29 =	sor.u32 $0x380, s12;
	[tilespmem:s28+$0x10080] =	vst v62;
	s0 =	sand.u32 $0x1FFFFC00, s0  }
0x291: {  	s6 =	simm.s32 $0x0;
	s16 =	simm.s32 $0x2080;
	[tilespmem:s29+$0x10080] =	vst v63;
	s0 =	sadd.s32 s30, s0  }
0x292: {  	[hbm4b:s0+s6] =	stream.linear.scatter [tilespmem:s31], [sflag:$0x8], $0x2000, $0x38;
	[tilespmem:$0x12080] =	vst v63  }
0x293: {  	s0 =	rddreg [dreg:$0x10]  }
0x294: {  	s1 =	rddreg [dreg:$0x15]  }
.Ltmp7:
0x295: {  	s0 =	sadd.s32 s1, s0;
	(pc) =	sbr.rel .LBB2_2-.Ltmp7, $4  }
0x296: {  	s31 =	rddreg [dreg:$0x0];
	s0 =	sshll.u32 s0, $0xA  }
0x297: {  	s15 =	rddreg [dreg:$0x14];
	s0 =	sand.u32 $0x1FFFFC00, s0  }
0x298: {  	s15 =	sadd.s32 $0x1, s15;
	s0 =	sadd.s32 s31, s0  }
0x299: {  	[tilespmem:s20], [sflag:$0x4] =	stream.linear.gather [hbm4b:s0+s6], $0x2000, $0x38;
	[tilespmem:$0x12080] =	vst v63  }
.LBB2_13:
0x29a: {  	_ =	sfence.sel $0x180000  }
0x29b: {  	[bflag:$0x0] =	sbarrier.arrive $0xFFFF  }
0x29c: {  	_ =	strace $0x90000047  }
0x29d: {  	s0 =	stileid.u32;
	[bflag:$0x2] =	sbarrier.arrive $0xFFFF  }
0x29e: {  	p0 =	sne.s32 s0, $0x0;
	s0 =	rddreg [dreg:$0x4]  }
0x29f: {  	s0 =	sadd.s32 @!p0 $0x100000, s0  }
0x2a0: {  	[sflag:s0] =	ssyncadd.tile.s32 @!p0 $0x1;
	_ =	shalt  }
.Lfunc_end2:
_tile_overlayer_lowered:
.L_overlay_start_2:
0x2a1: {  	(tag) =	ssettag $0x2  }
0x2a2: {  	s0 =	rddreg [dreg:$0x0];
	s2 =	stileid.u32  }
0x2a3: {  	s1 =	rddreg [dreg:$0x1];
	p0 =	sne.s32 s2, $0x0  }
0x2a4: {  	s3 =	rddreg [dreg:$0x2];
	[bflag:$0x3] =	sbarrier.arrive $0xFFFF;
	s2 =	simm.s32 @!p0 $0x1C09  }
0x2a5: {  	[timem:s3], [sflag:s2] =	dma.local @!p0 [hbm:s0], s1  }
0x2a6: {  	s0 =	simm.s32 @!p0 $0x9  }
0x2a7: {  	_ =	swait.ge @!p0 [sflag:s0], s1  }
0x2a8: {  	s1 =	ssub.s32 @!p0 $0x0, s1;
	[sflag:s0] =	ssyncset.done @!p0 $0x0  }
0x2a9: {  	[sflag:s0] =	ssyncadd.s32 @!p0 s1  }
0x2aa: {  	[bflag:$0x3] =	sbarrier.arrive $0xFFFF  }
0x2ab: {  	_ =	shalt  }

</sc_bundles>
